<compile_context>
chip_gen: v7x
topology: tpu7x:2x2x1
jax: 0.10.2.dev20260603
libtpu: 0.0.44.dev20260713+nightly
codegen_flags: <defaults>
</compile_context>

<pallas_src>
import jax
import jax.numpy as jnp
from jax import lax
from jax.experimental import pallas as pl
from jax.experimental.pallas import tpu as pltpu
from jax.experimental.pallas import tpu_sc as plsc

B = 16384
D = 128
NC = 2
NS = 16
L = 16
NW = NC * NS
BPW = B // NW
CH = 64
NCH = BPW // CH
NSLOT = 2
NG = NCH // NSLOT

_MESH = plsc.VectorSubcoreMesh(core_axis_name="c", subcore_axis_name="s")


def _bpr_body(user_h, pos_h, neg_h, ue_h, ie_h, pos_o, neg_o,
              uidx, pidx, nidx,
              u0, p0, n0, u1, p1, n1,
              pout, nout, s0, s1):
    wid = lax.axis_index("s") * NC + lax.axis_index("c")
    base = wid * BPW
    bufs = ((u0, p0, n0), (u1, p1, n1))
    sems = (s0, s1)

    pltpu.sync_copy(user_h.at[pl.ds(base, BPW)], uidx)
    pltpu.sync_copy(pos_h.at[pl.ds(base, BPW)], pidx)
    pltpu.sync_copy(neg_h.at[pl.ds(base, BPW)], nidx)

    def fetch(j, slot):
        off = pl.multiple_of(j * CH, CH)
        ub, pb, nb = bufs[slot]
        pltpu.async_copy(ue_h.at[uidx.at[pl.ds(off, CH)]], ub, sems[slot])
        pltpu.async_copy(ie_h.at[pidx.at[pl.ds(off, CH)]], pb, sems[slot])
        pltpu.async_copy(ie_h.at[nidx.at[pl.ds(off, CH)]], nb, sems[slot])

    def drain(slot):
        ub, pb, nb = bufs[slot]
        pltpu.make_async_copy(ue_h.at[uidx.at[pl.ds(0, CH)]], ub, sems[slot]).wait()
        pltpu.make_async_copy(ie_h.at[pidx.at[pl.ds(0, CH)]], pb, sems[slot]).wait()
        pltpu.make_async_copy(ie_h.at[nidx.at[pl.ds(0, CH)]], nb, sems[slot]).wait()

    lane15 = lax.iota(jnp.int32, L) == (L - 1)

    for slot in range(NSLOT):
        fetch(slot, slot)

    @pl.loop(0, NG)
    def ring(g):
        for slot in range(NSLOT):
            j = g * NSLOT + slot
            drain(slot)
            ub, pb, nb = bufs[slot]
            obase = j * CH

            @plsc.parallel_loop(0, CH, unroll=2)
            def row(r, ub=ub, pb=pb, nb=nb, obase=obase):
                us = [ub[r, pl.ds(cc * L, L)] for cc in range(D // L)]
                ps = [pb[r, pl.ds(cc * L, L)] for cc in range(D // L)]
                ns = [nb[r, pl.ds(cc * L, L)] for cc in range(D // L)]
                pprod = [us[cc] * ps[cc] for cc in range(D // L)]
                nprod = [us[cc] * ns[cc] for cc in range(D // L)]
                while len(pprod) > 1:
                    pprod = [a + b for a, b in zip(pprod[0::2], pprod[1::2])]
                    nprod = [a + b for a, b in zip(nprod[0::2], nprod[1::2])]
                out_idx = jnp.broadcast_to(obase + r, (L,)).astype(jnp.int32)
                plsc.store_scatter(pout, [out_idx], plsc.cumsum(pprod[0]), mask=lane15)
                plsc.store_scatter(nout, [out_idx], plsc.cumsum(nprod[0]), mask=lane15)

            @pl.when(g < NG - 1)
            def _prefetch(j=j, slot=slot):
                fetch(j + NSLOT, slot)

    pltpu.sync_copy(pout, pos_o.at[pl.ds(base, BPW)])
    pltpu.sync_copy(nout, neg_o.at[pl.ds(base, BPW)])


_bpr = pl.kernel(
    _bpr_body,
    out_type=[
        jax.ShapeDtypeStruct((B,), jnp.float32),
        jax.ShapeDtypeStruct((B,), jnp.float32),
    ],
    mesh=_MESH,
    compiler_params=pltpu.CompilerParams(needs_layout_passes=False),
    scratch_types=(
        [pltpu.VMEM((BPW,), jnp.int32)] * 3
        + [pltpu.VMEM((CH, D), jnp.float32)] * (3 * NSLOT)
        + [pltpu.VMEM((BPW,), jnp.float32)] * 2
        + [pltpu.SemaphoreType.DMA] * NSLOT
    ),
)


@jax.jit
def kernel(user, pos_item, neg_item, user_embedding, item_embedding):
    user = user.astype(jnp.int32)
    pos_item = pos_item.astype(jnp.int32)
    neg_item = neg_item.astype(jnp.int32)
    pos_pred, neg_pred = _bpr(user, pos_item, neg_item,
                              user_embedding, item_embedding)
    return (pos_pred, neg_pred)

# --- scband reference (transcript-rebuilt; emitter-appended) ---
"""Pipeline reference for scband-bprmodel-34308198760801 (READ-ONLY COPY).

The authoritative reference and input builder live on the scoring server;
editing this copy changes nothing except your own understanding.
"""

import jax, jax.numpy as jnp
import numpy as np

N_USER = 1000000
N_ITEM = 1000000
N_LATENT = 128
BATCH = 16384

def setup_inputs(seed: int = 0) -> dict:
    key = jax.random.key(seed)
    k1, k2, k3, k4, k5 = jax.random.split(key, 5)
    user = jax.random.randint(k1, (BATCH,), 0, N_USER, dtype=jnp.int64 if jax.config.jax_enable_x64 else jnp.int32)
    pos_item = jax.random.randint(k2, (BATCH,), 0, N_ITEM, dtype=jnp.int64 if jax.config.jax_enable_x64 else jnp.int32)
    neg_item = jax.random.randint(k3, (BATCH,), 0, N_ITEM, dtype=jnp.int64 if jax.config.jax_enable_x64 else jnp.int32)
    # learned parameters (orthogonal init approximated with scaled normal; math of forward is identical)
    user_embedding = jax.random.normal(k4, (N_USER, N_LATENT), dtype=jnp.float32) * (1.0 / np.sqrt(N_LATENT))
    item_embedding = jax.random.normal(k5, (N_ITEM, N_LATENT), dtype=jnp.float32) * (1.0 / np.sqrt(N_LATENT))
    return {
        "user": user,
        "pos_item": pos_item,
        "neg_item": neg_item,
        "user_embedding": user_embedding,
        "item_embedding": item_embedding,
    }

def reference(user, pos_item, neg_item, user_embedding, item_embedding):
    u = jnp.take(user_embedding, user, axis=0)          # [B, d] gather
    pi = jnp.take(item_embedding, pos_item, axis=0)     # [B, d] gather
    ni = jnp.take(item_embedding, neg_item, axis=0)     # [B, d] gather
    pos_prediction = jnp.sum(u * pi, axis=1)            # [B]
    neg_prediction = jnp.sum(u * ni, axis=1)            # [B]
    return (pos_prediction, neg_prediction)

if __name__ == "__main__":
    import jax
    _d = setup_inputs()
    print(jax.jit(kernel)(*tuple(_d.values())))

</pallas_src>

<mosaic_0001>
#map = affine_map<(d0, d1) -> (0)>
#map1 = affine_map<(d0, d1) -> (0, 0)>
module attributes {stable_mosaic.version = 14 : i64} {
  func.func @_bpr_body(%arg0: i32, %arg1: i32, %arg2: memref<16384xi32, #tpu.memory_space<hbm>>, %arg3: memref<16384xi32, #tpu.memory_space<hbm>>, %arg4: memref<16384xi32, #tpu.memory_space<hbm>>, %arg5: memref<1000000x128xf32, #tpu.memory_space<hbm>>, %arg6: memref<1000000x128xf32, #tpu.memory_space<hbm>>, %arg7: memref<16384xf32, #tpu.memory_space<hbm>>, %arg8: memref<16384xf32, #tpu.memory_space<hbm>>, %arg9: memref<512xi32, #tpu.memory_space<vmem>>, %arg10: memref<512xi32, #tpu.memory_space<vmem>>, %arg11: memref<512xi32, #tpu.memory_space<vmem>>, %arg12: memref<64x128xf32, #tpu.memory_space<vmem>>, %arg13: memref<64x128xf32, #tpu.memory_space<vmem>>, %arg14: memref<64x128xf32, #tpu.memory_space<vmem>>, %arg15: memref<64x128xf32, #tpu.memory_space<vmem>>, %arg16: memref<64x128xf32, #tpu.memory_space<vmem>>, %arg17: memref<64x128xf32, #tpu.memory_space<vmem>>, %arg18: memref<512xf32, #tpu.memory_space<vmem>>, %arg19: memref<512xf32, #tpu.memory_space<vmem>>, %arg20: memref<!tpu.dma_semaphore, #tpu.memory_space<semaphore_mem>>, %arg21: memref<!tpu.dma_semaphore, #tpu.memory_space<semaphore_mem>>) attributes {dimension_semantics = [#tpu.dimension_semantics<core_parallel>, #tpu.dimension_semantics<subcore_parallel>], iteration_bounds = array<i64: 2, 16>, scalar_prefetch = 0 : i64, scratch_operands = 13 : i64, tpu.core_type = #tpu.core_type<sc_vector_subcore>, window_params = [{transform_indices = #map}, {transform_indices = #map}, {transform_indices = #map}, {transform_indices = #map1}, {transform_indices = #map1}, {transform_indices = #map}, {transform_indices = #map}]} {
    %mul3A = arith.constant 2 : i32
    %mul3A_0 = arith.muli %arg1, %mul3A : i32
    %add3A = arith.addi %mul3A_0, %arg0 : i32
    %mul3A_1 = arith.constant 512 : i32
    %mul3A_2 = arith.muli %add3A, %mul3A_1 : i32
    "tpu.region"() ({
      %run_scoped3A = tpu.sem_alloc : memref<!tpu.dma_semaphore, #tpu.memory_space<semaphore_mem>>
      %dma_start3A_35 = tpu.memref_slice %arg2[%mul3A_2] : memref<16384xi32, #tpu.memory_space<hbm>> -> memref<512xi32, #tpu.memory_space<hbm>>
      %dma_start3A_36 = tpu.memref_slice %arg2[%mul3A_2] : memref<16384xi32, #tpu.memory_space<hbm>> -> memref<512xi32, #tpu.memory_space<hbm>>
      tpu.enqueue_dma source(%dma_start3A_36 : memref<512xi32, #tpu.memory_space<hbm>>) target(%arg9 : memref<512xi32, #tpu.memory_space<vmem>>) target_semaphore(%run_scoped3A : memref<!tpu.dma_semaphore, #tpu.memory_space<semaphore_mem>>)
      %dma_wait3A = tpu.memref_slice %arg2[%mul3A_2] : memref<16384xi32, #tpu.memory_space<hbm>> -> memref<512xi32, #tpu.memory_space<hbm>>
      %dma_wait3A_37 = tpu.memref_slice %arg2[%mul3A_2] : memref<16384xi32, #tpu.memory_space<hbm>> -> memref<512xi32, #tpu.memory_space<hbm>>
      tpu.wait_dma2 semaphore(%run_scoped3A : memref<!tpu.dma_semaphore, #tpu.memory_space<semaphore_mem>>) src(%dma_wait3A_37 : memref<512xi32, #tpu.memory_space<hbm>>) dst(%arg9 : memref<512xi32, #tpu.memory_space<vmem>>)
      tpu.yield
    }) : () -> ()
    "tpu.region"() ({
      %run_scoped3A = tpu.sem_alloc : memref<!tpu.dma_semaphore, #tpu.memory_space<semaphore_mem>>
      %dma_start3A_35 = tpu.memref_slice %arg3[%mul3A_2] : memref<16384xi32, #tpu.memory_space<hbm>> -> memref<512xi32, #tpu.memory_space<hbm>>
      %dma_start3A_36 = tpu.memref_slice %arg3[%mul3A_2] : memref<16384xi32, #tpu.memory_space<hbm>> -> memref<512xi32, #tpu.memory_space<hbm>>
      tpu.enqueue_dma source(%dma_start3A_36 : memref<512xi32, #tpu.memory_space<hbm>>) target(%arg10 : memref<512xi32, #tpu.memory_space<vmem>>) target_semaphore(%run_scoped3A : memref<!tpu.dma_semaphore, #tpu.memory_space<semaphore_mem>>)
      %dma_wait3A = tpu.memref_slice %arg3[%mul3A_2] : memref<16384xi32, #tpu.memory_space<hbm>> -> memref<512xi32, #tpu.memory_space<hbm>>
      %dma_wait3A_37 = tpu.memref_slice %arg3[%mul3A_2] : memref<16384xi32, #tpu.memory_space<hbm>> -> memref<512xi32, #tpu.memory_space<hbm>>
      tpu.wait_dma2 semaphore(%run_scoped3A : memref<!tpu.dma_semaphore, #tpu.memory_space<semaphore_mem>>) src(%dma_wait3A_37 : memref<512xi32, #tpu.memory_space<hbm>>) dst(%arg10 : memref<512xi32, #tpu.memory_space<vmem>>)
      tpu.yield
    }) : () -> ()
    "tpu.region"() ({
      %run_scoped3A = tpu.sem_alloc : memref<!tpu.dma_semaphore, #tpu.memory_space<semaphore_mem>>
      %dma_start3A_35 = tpu.memref_slice %arg4[%mul3A_2] : memref<16384xi32, #tpu.memory_space<hbm>> -> memref<512xi32, #tpu.memory_space<hbm>>
      %dma_start3A_36 = tpu.memref_slice %arg4[%mul3A_2] : memref<16384xi32, #tpu.memory_space<hbm>> -> memref<512xi32, #tpu.memory_space<hbm>>
      tpu.enqueue_dma source(%dma_start3A_36 : memref<512xi32, #tpu.memory_space<hbm>>) target(%arg11 : memref<512xi32, #tpu.memory_space<vmem>>) target_semaphore(%run_scoped3A : memref<!tpu.dma_semaphore, #tpu.memory_space<semaphore_mem>>)
      %dma_wait3A = tpu.memref_slice %arg4[%mul3A_2] : memref<16384xi32, #tpu.memory_space<hbm>> -> memref<512xi32, #tpu.memory_space<hbm>>
      %dma_wait3A_37 = tpu.memref_slice %arg4[%mul3A_2] : memref<16384xi32, #tpu.memory_space<hbm>> -> memref<512xi32, #tpu.memory_space<hbm>>
      tpu.wait_dma2 semaphore(%run_scoped3A : memref<!tpu.dma_semaphore, #tpu.memory_space<semaphore_mem>>) src(%dma_wait3A_37 : memref<512xi32, #tpu.memory_space<hbm>>) dst(%arg11 : memref<512xi32, #tpu.memory_space<vmem>>)
      tpu.yield
    }) : () -> ()
    %iota3A = tpu.iota {dimensions = array<i32: 0>} : vector<16xi32>
    %eq3A = arith.constant 15 : i32
    %eq3A_3 = vector.broadcast %eq3A : i32 to vector<16xi32>
    %eq3A_4 = arith.cmpi eq, %iota3A, %eq3A_3 : vector<16xi32>
    %multiple_of3A = arith.constant 0 : i32
    %multiple_of3A_5 = tpu.assume_multiple %multiple_of3A, 64 : i32
    %dma_start3A = tpu.memref_slice %arg9[%multiple_of3A_5] : memref<512xi32, #tpu.memory_space<vmem>> -> memref<64xi32, #tpu.memory_space<vmem>>
    %dma_start3A_6 = arith.constant 0 : i32
    %dma_start3A_7 = arith.constant 0 : i32
    %dma_start3A_8 = tpu.memref_slice %arg5[%dma_start3A_6, %dma_start3A_7] : memref<1000000x128xf32, #tpu.memory_space<hbm>> -> memref<1000000x128xf32, #tpu.memory_space<hbm>>
    tpu.enqueue_indirect_dma source(%dma_start3A_8 : memref<1000000x128xf32, #tpu.memory_space<hbm>>) target(%arg12 : memref<64x128xf32, #tpu.memory_space<vmem>>) offsets(%dma_start3A : memref<64xi32, #tpu.memory_space<vmem>>) semaphore(%arg20 : memref<!tpu.dma_semaphore, #tpu.memory_space<semaphore_mem>>)
    %dma_start3A_9 = tpu.memref_slice %arg10[%multiple_of3A_5] : memref<512xi32, #tpu.memory_space<vmem>> -> memref<64xi32, #tpu.memory_space<vmem>>
    %dma_start3A_10 = arith.constant 0 : i32
    %dma_start3A_11 = arith.constant 0 : i32
    %dma_start3A_12 = tpu.memref_slice %arg6[%dma_start3A_10, %dma_start3A_11] : memref<1000000x128xf32, #tpu.memory_space<hbm>> -> memref<1000000x128xf32, #tpu.memory_space<hbm>>
    tpu.enqueue_indirect_dma source(%dma_start3A_12 : memref<1000000x128xf32, #tpu.memory_space<hbm>>) target(%arg13 : memref<64x128xf32, #tpu.memory_space<vmem>>) offsets(%dma_start3A_9 : memref<64xi32, #tpu.memory_space<vmem>>) semaphore(%arg20 : memref<!tpu.dma_semaphore, #tpu.memory_space<semaphore_mem>>)
    %dma_start3A_13 = tpu.memref_slice %arg11[%multiple_of3A_5] : memref<512xi32, #tpu.memory_space<vmem>> -> memref<64xi32, #tpu.memory_space<vmem>>
    %dma_start3A_14 = arith.constant 0 : i32
    %dma_start3A_15 = arith.constant 0 : i32
    %dma_start3A_16 = tpu.memref_slice %arg6[%dma_start3A_14, %dma_start3A_15] : memref<1000000x128xf32, #tpu.memory_space<hbm>> -> memref<1000000x128xf32, #tpu.memory_space<hbm>>
    tpu.enqueue_indirect_dma source(%dma_start3A_16 : memref<1000000x128xf32, #tpu.memory_space<hbm>>) target(%arg14 : memref<64x128xf32, #tpu.memory_space<vmem>>) offsets(%dma_start3A_13 : memref<64xi32, #tpu.memory_space<vmem>>) semaphore(%arg20 : memref<!tpu.dma_semaphore, #tpu.memory_space<semaphore_mem>>)
    %multiple_of3A_17 = arith.constant 64 : i32
    %multiple_of3A_18 = tpu.assume_multiple %multiple_of3A_17, 64 : i32
    %dma_start3A_19 = tpu.memref_slice %arg9[%multiple_of3A_18] : memref<512xi32, #tpu.memory_space<vmem>> -> memref<64xi32, #tpu.memory_space<vmem>>
    %dma_start3A_20 = arith.constant 0 : i32
    %dma_start3A_21 = arith.constant 0 : i32
    %dma_start3A_22 = tpu.memref_slice %arg5[%dma_start3A_20, %dma_start3A_21] : memref<1000000x128xf32, #tpu.memory_space<hbm>> -> memref<1000000x128xf32, #tpu.memory_space<hbm>>
    tpu.enqueue_indirect_dma source(%dma_start3A_22 : memref<1000000x128xf32, #tpu.memory_space<hbm>>) target(%arg15 : memref<64x128xf32, #tpu.memory_space<vmem>>) offsets(%dma_start3A_19 : memref<64xi32, #tpu.memory_space<vmem>>) semaphore(%arg21 : memref<!tpu.dma_semaphore, #tpu.memory_space<semaphore_mem>>)
    %dma_start3A_23 = tpu.memref_slice %arg10[%multiple_of3A_18] : memref<512xi32, #tpu.memory_space<vmem>> -> memref<64xi32, #tpu.memory_space<vmem>>
    %dma_start3A_24 = arith.constant 0 : i32
    %dma_start3A_25 = arith.constant 0 : i32
    %dma_start3A_26 = tpu.memref_slice %arg6[%dma_start3A_24, %dma_start3A_25] : memref<1000000x128xf32, #tpu.memory_space<hbm>> -> memref<1000000x128xf32, #tpu.memory_space<hbm>>
    tpu.enqueue_indirect_dma source(%dma_start3A_26 : memref<1000000x128xf32, #tpu.memory_space<hbm>>) target(%arg16 : memref<64x128xf32, #tpu.memory_space<vmem>>) offsets(%dma_start3A_23 : memref<64xi32, #tpu.memory_space<vmem>>) semaphore(%arg21 : memref<!tpu.dma_semaphore, #tpu.memory_space<semaphore_mem>>)
    %dma_start3A_27 = tpu.memref_slice %arg11[%multiple_of3A_18] : memref<512xi32, #tpu.memory_space<vmem>> -> memref<64xi32, #tpu.memory_space<vmem>>
    %dma_start3A_28 = arith.constant 0 : i32
    %dma_start3A_29 = arith.constant 0 : i32
    %dma_start3A_30 = tpu.memref_slice %arg6[%dma_start3A_28, %dma_start3A_29] : memref<1000000x128xf32, #tpu.memory_space<hbm>> -> memref<1000000x128xf32, #tpu.memory_space<hbm>>
    tpu.enqueue_indirect_dma source(%dma_start3A_30 : memref<1000000x128xf32, #tpu.memory_space<hbm>>) target(%arg17 : memref<64x128xf32, #tpu.memory_space<vmem>>) offsets(%dma_start3A_27 : memref<64xi32, #tpu.memory_space<vmem>>) semaphore(%arg21 : memref<!tpu.dma_semaphore, #tpu.memory_space<semaphore_mem>>)
    %scan3A = arith.constant 0 : i32
    %scan3A_31 = arith.constant 4 : i32
    %scan3A_32 = arith.addi %scan3A, %scan3A_31 : i32
    %scan3A_33 = arith.constant 1 : i32
    scf.for %scan3A_35 = %scan3A to %scan3A_32 step %scan3A_33  : i32 {
      %mul3A_36 = arith.constant 1 : i32
      %mul3A_37 = arith.muli %scan3A_35, %mul3A_36 : i32
      %add3A_38 = arith.constant 0 : i32
      %add3A_39 = arith.addi %add3A_38, %mul3A_37 : i32
      %mul3A_40 = arith.constant 2 : i32
      %mul3A_41 = arith.muli %add3A_39, %mul3A_40 : i32
      %add3A_42 = arith.constant 0 : i32
      %add3A_43 = arith.addi %mul3A_41, %add3A_42 : i32
      %dma_wait3A = arith.constant 0 : i32
      %dma_wait3A_44 = tpu.memref_slice %arg9[%dma_wait3A] : memref<512xi32, #tpu.memory_space<vmem>> -> memref<64xi32, #tpu.memory_space<vmem>>
      %dma_wait3A_45 = arith.constant 0 : i32
      %dma_wait3A_46 = arith.constant 0 : i32
      %dma_wait3A_47 = tpu.memref_slice %arg5[%dma_wait3A_45, %dma_wait3A_46] : memref<1000000x128xf32, #tpu.memory_space<hbm>> -> memref<1000000x128xf32, #tpu.memory_space<hbm>>
      tpu.wait_indirect_dma semaphore(%arg20 : memref<!tpu.dma_semaphore, #tpu.memory_space<semaphore_mem>>) src(%dma_wait3A_47 : memref<1000000x128xf32, #tpu.memory_space<hbm>>) dst(%arg12 : memref<64x128xf32, #tpu.memory_space<vmem>>)
      %dma_wait3A_48 = arith.constant 0 : i32
      %dma_wait3A_49 = tpu.memref_slice %arg10[%dma_wait3A_48] : memref<512xi32, #tpu.memory_space<vmem>> -> memref<64xi32, #tpu.memory_space<vmem>>
      %dma_wait3A_50 = arith.constant 0 : i32
      %dma_wait3A_51 = arith.constant 0 : i32
      %dma_wait3A_52 = tpu.memref_slice %arg6[%dma_wait3A_50, %dma_wait3A_51] : memref<1000000x128xf32, #tpu.memory_space<hbm>> -> memref<1000000x128xf32, #tpu.memory_space<hbm>>
      tpu.wait_indirect_dma semaphore(%arg20 : memref<!tpu.dma_semaphore, #tpu.memory_space<semaphore_mem>>) src(%dma_wait3A_52 : memref<1000000x128xf32, #tpu.memory_space<hbm>>) dst(%arg13 : memref<64x128xf32, #tpu.memory_space<vmem>>)
      %dma_wait3A_53 = arith.constant 0 : i32
      %dma_wait3A_54 = tpu.memref_slice %arg11[%dma_wait3A_53] : memref<512xi32, #tpu.memory_space<vmem>> -> memref<64xi32, #tpu.memory_space<vmem>>
      %dma_wait3A_55 = arith.constant 0 : i32
      %dma_wait3A_56 = arith.constant 0 : i32
      %dma_wait3A_57 = tpu.memref_slice %arg6[%dma_wait3A_55, %dma_wait3A_56] : memref<1000000x128xf32, #tpu.memory_space<hbm>> -> memref<1000000x128xf32, #tpu.memory_space<hbm>>
      tpu.wait_indirect_dma semaphore(%arg20 : memref<!tpu.dma_semaphore, #tpu.memory_space<semaphore_mem>>) src(%dma_wait3A_57 : memref<1000000x128xf32, #tpu.memory_space<hbm>>) dst(%arg14 : memref<64x128xf32, #tpu.memory_space<vmem>>)
      %mul3A_58 = arith.constant 64 : i32
      %mul3A_59 = arith.muli %add3A_43, %mul3A_58 : i32
      %parallel_loop3A = arith.constant 0 : i32
      %parallel_loop3A_60 = arith.constant 64 : i32
      %parallel_loop3A_61 = arith.constant 1 : i32
      scf.for %parallel_loop3A_93 = %parallel_loop3A to %parallel_loop3A_60 step %parallel_loop3A_61  : i32 {
        %parallel_loop3A_94 = arith.index_cast %parallel_loop3A_93 : i32 to index
        %parallel_loop3A_95 = arith.constant 0 : index
        %parallel_loop3A_96 = tpu.vector_load %arg12[%parallel_loop3A_94, %parallel_loop3A_95] {strides = array<i32>} : memref<64x128xf32, #tpu.memory_space<vmem>>, vector<16xf32>,
        %parallel_loop3A_97 = arith.index_cast %parallel_loop3A_93 : i32 to index
        %parallel_loop3A_98 = arith.constant 16 : index
        %parallel_loop3A_99 = tpu.vector_load %arg12[%parallel_loop3A_97, %parallel_loop3A_98] {strides = array<i32>} : memref<64x128xf32, #tpu.memory_space<vmem>>, vector<16xf32>,
        %parallel_loop3A_100 = arith.index_cast %parallel_loop3A_93 : i32 to index
        %parallel_loop3A_101 = arith.constant 32 : index
        %parallel_loop3A_102 = tpu.vector_load %arg12[%parallel_loop3A_100, %parallel_loop3A_101] {strides = array<i32>} : memref<64x128xf32, #tpu.memory_space<vmem>>, vector<16xf32>,
        %parallel_loop3A_103 = arith.index_cast %parallel_loop3A_93 : i32 to index
        %parallel_loop3A_104 = arith.constant 48 : index
        %parallel_loop3A_105 = tpu.vector_load %arg12[%parallel_loop3A_103, %parallel_loop3A_104] {strides = array<i32>} : memref<64x128xf32, #tpu.memory_space<vmem>>, vector<16xf32>,
        %parallel_loop3A_106 = arith.index_cast %parallel_loop3A_93 : i32 to index
        %parallel_loop3A_107 = arith.constant 64 : index
        %parallel_loop3A_108 = tpu.vector_load %arg12[%parallel_loop3A_106, %parallel_loop3A_107] {strides = array<i32>} : memref<64x128xf32, #tpu.memory_space<vmem>>, vector<16xf32>,
        %parallel_loop3A_109 = arith.index_cast %parallel_loop3A_93 : i32 to index
        %parallel_loop3A_110 = arith.constant 80 : index
        %parallel_loop3A_111 = tpu.vector_load %arg12[%parallel_loop3A_109, %parallel_loop3A_110] {strides = array<i32>} : memref<64x128xf32, #tpu.memory_space<vmem>>, vector<16xf32>,
        %parallel_loop3A_112 = arith.index_cast %parallel_loop3A_93 : i32 to index
        %parallel_loop3A_113 = arith.constant 96 : index
        %parallel_loop3A_114 = tpu.vector_load %arg12[%parallel_loop3A_112, %parallel_loop3A_113] {strides = array<i32>} : memref<64x128xf32, #tpu.memory_space<vmem>>, vector<16xf32>,
        %parallel_loop3A_115 = arith.index_cast %parallel_loop3A_93 : i32 to index
        %parallel_loop3A_116 = arith.constant 112 : index
        %parallel_loop3A_117 = tpu.vector_load %arg12[%parallel_loop3A_115, %parallel_loop3A_116] {strides = array<i32>} : memref<64x128xf32, #tpu.memory_space<vmem>>, vector<16xf32>,
        %parallel_loop3A_118 = arith.index_cast %parallel_loop3A_93 : i32 to index
        %parallel_loop3A_119 = arith.constant 0 : index
        %parallel_loop3A_120 = tpu.vector_load %arg13[%parallel_loop3A_118, %parallel_loop3A_119] {strides = array<i32>} : memref<64x128xf32, #tpu.memory_space<vmem>>, vector<16xf32>,
        %parallel_loop3A_121 = arith.index_cast %parallel_loop3A_93 : i32 to index
        %parallel_loop3A_122 = arith.constant 16 : index
        %parallel_loop3A_123 = tpu.vector_load %arg13[%parallel_loop3A_121, %parallel_loop3A_122] {strides = array<i32>} : memref<64x128xf32, #tpu.memory_space<vmem>>, vector<16xf32>,
        %parallel_loop3A_124 = arith.index_cast %parallel_loop3A_93 : i32 to index
        %parallel_loop3A_125 = arith.constant 32 : index
        %parallel_loop3A_126 = tpu.vector_load %arg13[%parallel_loop3A_124, %parallel_loop3A_125] {strides = array<i32>} : memref<64x128xf32, #tpu.memory_space<vmem>>, vector<16xf32>,
        %parallel_loop3A_127 = arith.index_cast %parallel_loop3A_93 : i32 to index
        %parallel_loop3A_128 = arith.constant 48 : index
        %parallel_loop3A_129 = tpu.vector_load %arg13[%parallel_loop3A_127, %parallel_loop3A_128] {strides = array<i32>} : memref<64x128xf32, #tpu.memory_space<vmem>>, vector<16xf32>,
        %parallel_loop3A_130 = arith.index_cast %parallel_loop3A_93 : i32 to index
        %parallel_loop3A_131 = arith.constant 64 : index
        %parallel_loop3A_132 = tpu.vector_load %arg13[%parallel_loop3A_130, %parallel_loop3A_131] {strides = array<i32>} : memref<64x128xf32, #tpu.memory_space<vmem>>, vector<16xf32>,
        %parallel_loop3A_133 = arith.index_cast %parallel_loop3A_93 : i32 to index
        %parallel_loop3A_134 = arith.constant 80 : index
        %parallel_loop3A_135 = tpu.vector_load %arg13[%parallel_loop3A_133, %parallel_loop3A_134] {strides = array<i32>} : memref<64x128xf32, #tpu.memory_space<vmem>>, vector<16xf32>,
        %parallel_loop3A_136 = arith.index_cast %parallel_loop3A_93 : i32 to index
        %parallel_loop3A_137 = arith.constant 96 : index
        %parallel_loop3A_138 = tpu.vector_load %arg13[%parallel_loop3A_136, %parallel_loop3A_137] {strides = array<i32>} : memref<64x128xf32, #tpu.memory_space<vmem>>, vector<16xf32>,
        %parallel_loop3A_139 = arith.index_cast %parallel_loop3A_93 : i32 to index
        %parallel_loop3A_140 = arith.constant 112 : index
        %parallel_loop3A_141 = tpu.vector_load %arg13[%parallel_loop3A_139, %parallel_loop3A_140] {strides = array<i32>} : memref<64x128xf32, #tpu.memory_space<vmem>>, vector<16xf32>,
        %parallel_loop3A_142 = arith.index_cast %parallel_loop3A_93 : i32 to index
        %parallel_loop3A_143 = arith.constant 0 : index
        %parallel_loop3A_144 = tpu.vector_load %arg14[%parallel_loop3A_142, %parallel_loop3A_143] {strides = array<i32>} : memref<64x128xf32, #tpu.memory_space<vmem>>, vector<16xf32>,
        %parallel_loop3A_145 = arith.index_cast %parallel_loop3A_93 : i32 to index
        %parallel_loop3A_146 = arith.constant 16 : index
        %parallel_loop3A_147 = tpu.vector_load %arg14[%parallel_loop3A_145, %parallel_loop3A_146] {strides = array<i32>} : memref<64x128xf32, #tpu.memory_space<vmem>>, vector<16xf32>,
        %parallel_loop3A_148 = arith.index_cast %parallel_loop3A_93 : i32 to index
        %parallel_loop3A_149 = arith.constant 32 : index
        %parallel_loop3A_150 = tpu.vector_load %arg14[%parallel_loop3A_148, %parallel_loop3A_149] {strides = array<i32>} : memref<64x128xf32, #tpu.memory_space<vmem>>, vector<16xf32>,
        %parallel_loop3A_151 = arith.index_cast %parallel_loop3A_93 : i32 to index
        %parallel_loop3A_152 = arith.constant 48 : index
        %parallel_loop3A_153 = tpu.vector_load %arg14[%parallel_loop3A_151, %parallel_loop3A_152] {strides = array<i32>} : memref<64x128xf32, #tpu.memory_space<vmem>>, vector<16xf32>,
        %parallel_loop3A_154 = arith.index_cast %parallel_loop3A_93 : i32 to index
        %parallel_loop3A_155 = arith.constant 64 : index
        %parallel_loop3A_156 = tpu.vector_load %arg14[%parallel_loop3A_154, %parallel_loop3A_155] {strides = array<i32>} : memref<64x128xf32, #tpu.memory_space<vmem>>, vector<16xf32>,
        %parallel_loop3A_157 = arith.index_cast %parallel_loop3A_93 : i32 to index
        %parallel_loop3A_158 = arith.constant 80 : index
        %parallel_loop3A_159 = tpu.vector_load %arg14[%parallel_loop3A_157, %parallel_loop3A_158] {strides = array<i32>} : memref<64x128xf32, #tpu.memory_space<vmem>>, vector<16xf32>,
        %parallel_loop3A_160 = arith.index_cast %parallel_loop3A_93 : i32 to index
        %parallel_loop3A_161 = arith.constant 96 : index
        %parallel_loop3A_162 = tpu.vector_load %arg14[%parallel_loop3A_160, %parallel_loop3A_161] {strides = array<i32>} : memref<64x128xf32, #tpu.memory_space<vmem>>, vector<16xf32>,
        %parallel_loop3A_163 = arith.index_cast %parallel_loop3A_93 : i32 to index
        %parallel_loop3A_164 = arith.constant 112 : index
        %parallel_loop3A_165 = tpu.vector_load %arg14[%parallel_loop3A_163, %parallel_loop3A_164] {strides = array<i32>} : memref<64x128xf32, #tpu.memory_space<vmem>>, vector<16xf32>,
        %parallel_loop3A_166 = arith.mulf %parallel_loop3A_96, %parallel_loop3A_120 : vector<16xf32>
        %parallel_loop3A_167 = arith.mulf %parallel_loop3A_99, %parallel_loop3A_123 : vector<16xf32>
        %parallel_loop3A_168 = arith.mulf %parallel_loop3A_102, %parallel_loop3A_126 : vector<16xf32>
        %parallel_loop3A_169 = arith.mulf %parallel_loop3A_105, %parallel_loop3A_129 : vector<16xf32>
        %parallel_loop3A_170 = arith.mulf %parallel_loop3A_108, %parallel_loop3A_132 : vector<16xf32>
        %parallel_loop3A_171 = arith.mulf %parallel_loop3A_111, %parallel_loop3A_135 : vector<16xf32>
        %parallel_loop3A_172 = arith.mulf %parallel_loop3A_114, %parallel_loop3A_138 : vector<16xf32>
        %parallel_loop3A_173 = arith.mulf %parallel_loop3A_117, %parallel_loop3A_141 : vector<16xf32>
        %parallel_loop3A_174 = arith.mulf %parallel_loop3A_96, %parallel_loop3A_144 : vector<16xf32>
        %parallel_loop3A_175 = arith.mulf %parallel_loop3A_99, %parallel_loop3A_147 : vector<16xf32>
        %parallel_loop3A_176 = arith.mulf %parallel_loop3A_102, %parallel_loop3A_150 : vector<16xf32>
        %parallel_loop3A_177 = arith.mulf %parallel_loop3A_105, %parallel_loop3A_153 : vector<16xf32>
        %parallel_loop3A_178 = arith.mulf %parallel_loop3A_108, %parallel_loop3A_156 : vector<16xf32>
        %parallel_loop3A_179 = arith.mulf %parallel_loop3A_111, %parallel_loop3A_159 : vector<16xf32>
        %parallel_loop3A_180 = arith.mulf %parallel_loop3A_114, %parallel_loop3A_162 : vector<16xf32>
        %parallel_loop3A_181 = arith.mulf %parallel_loop3A_117, %parallel_loop3A_165 : vector<16xf32>
        %parallel_loop3A_182 = arith.addf %parallel_loop3A_166, %parallel_loop3A_167 : vector<16xf32>
        %parallel_loop3A_183 = arith.addf %parallel_loop3A_168, %parallel_loop3A_169 : vector<16xf32>
        %parallel_loop3A_184 = arith.addf %parallel_loop3A_170, %parallel_loop3A_171 : vector<16xf32>
        %parallel_loop3A_185 = arith.addf %parallel_loop3A_172, %parallel_loop3A_173 : vector<16xf32>
        %parallel_loop3A_186 = arith.addf %parallel_loop3A_174, %parallel_loop3A_175 : vector<16xf32>
        %parallel_loop3A_187 = arith.addf %parallel_loop3A_176, %parallel_loop3A_177 : vector<16xf32>
        %parallel_loop3A_188 = arith.addf %parallel_loop3A_178, %parallel_loop3A_179 : vector<16xf32>
        %parallel_loop3A_189 = arith.addf %parallel_loop3A_180, %parallel_loop3A_181 : vector<16xf32>
        %parallel_loop3A_190 = arith.addf %parallel_loop3A_182, %parallel_loop3A_183 : vector<16xf32>
        %parallel_loop3A_191 = arith.addf %parallel_loop3A_184, %parallel_loop3A_185 : vector<16xf32>
        %parallel_loop3A_192 = arith.addf %parallel_loop3A_186, %parallel_loop3A_187 : vector<16xf32>
        %parallel_loop3A_193 = arith.addf %parallel_loop3A_188, %parallel_loop3A_189 : vector<16xf32>
        %parallel_loop3A_194 = arith.addf %parallel_loop3A_190, %parallel_loop3A_191 : vector<16xf32>
        %parallel_loop3A_195 = arith.addf %parallel_loop3A_192, %parallel_loop3A_193 : vector<16xf32>
        %parallel_loop3A_196 = arith.addi %mul3A_59, %parallel_loop3A_93 : i32
        %parallel_loop3A_197 = vector.broadcast %parallel_loop3A_196 : i32 to vector<16xi32>
        %parallel_loop3A_198 = arith.constant true
        %parallel_loop3A_199 = vector.broadcast %parallel_loop3A_198 : i1 to vector<16xi1>
        %parallel_loop3A_200 = tpu.scan <sum>, %parallel_loop3A_194 masked %parallel_loop3A_199 : vector<16xf32>, vector<16xi1> -> vector<16xf32>
        tpu.vector_store_idx %arg18[%parallel_loop3A_197], %parallel_loop3A_200 masked %eq3A_4 : memref<512xf32, #tpu.memory_space<vmem>>[vector<16xi32>], vector<16xf32>, vector<16xi1>
        %parallel_loop3A_201 = arith.constant true
        %parallel_loop3A_202 = vector.broadcast %parallel_loop3A_201 : i1 to vector<16xi1>
        %parallel_loop3A_203 = tpu.scan <sum>, %parallel_loop3A_195 masked %parallel_loop3A_202 : vector<16xf32>, vector<16xi1> -> vector<16xf32>
        tpu.vector_store_idx %arg19[%parallel_loop3A_197], %parallel_loop3A_203 masked %eq3A_4 : memref<512xf32, #tpu.memory_space<vmem>>[vector<16xi32>], vector<16xf32>, vector<16xi1>
      } {sc.loop_unroll_factor = 2 : i64, sc.parallel_access}
      %lt3A = arith.constant 3 : i32
      %lt3A_62 = arith.cmpi slt, %add3A_39, %lt3A : i32
      %convert_element_type3A = arith.extui %lt3A_62 : i1 to i32
      %cond3A = arith.constant 0 : i32
      %cond3A_63 = arith.cmpi ne, %convert_element_type3A, %cond3A : i32
      scf.if %cond3A_63 {
        %add3A_93 = arith.constant 2 : i32
        %add3A_94 = arith.addi %add3A_43, %add3A_93 : i32
        %mul3A_95 = arith.constant 64 : i32
        %mul3A_96 = arith.muli %add3A_94, %mul3A_95 : i32
        %multiple_of3A_97 = tpu.assume_multiple %mul3A_96, 64 : i32
        %dma_start3A_98 = tpu.memref_slice %arg9[%multiple_of3A_97] : memref<512xi32, #tpu.memory_space<vmem>> -> memref<64xi32, #tpu.memory_space<vmem>>
        %dma_start3A_99 = arith.constant 0 : i32
        %dma_start3A_100 = arith.constant 0 : i32
        %dma_start3A_101 = tpu.memref_slice %arg5[%dma_start3A_99, %dma_start3A_100] : memref<1000000x128xf32, #tpu.memory_space<hbm>> -> memref<1000000x128xf32, #tpu.memory_space<hbm>>
        tpu.enqueue_indirect_dma source(%dma_start3A_101 : memref<1000000x128xf32, #tpu.memory_space<hbm>>) target(%arg12 : memref<64x128xf32, #tpu.memory_space<vmem>>) offsets(%dma_start3A_98 : memref<64xi32, #tpu.memory_space<vmem>>) semaphore(%arg20 : memref<!tpu.dma_semaphore, #tpu.memory_space<semaphore_mem>>)
        %dma_start3A_102 = tpu.memref_slice %arg10[%multiple_of3A_97] : memref<512xi32, #tpu.memory_space<vmem>> -> memref<64xi32, #tpu.memory_space<vmem>>
        %dma_start3A_103 = arith.constant 0 : i32
        %dma_start3A_104 = arith.constant 0 : i32
        %dma_start3A_105 = tpu.memref_slice %arg6[%dma_start3A_103, %dma_start3A_104] : memref<1000000x128xf32, #tpu.memory_space<hbm>> -> memref<1000000x128xf32, #tpu.memory_space<hbm>>
        tpu.enqueue_indirect_dma source(%dma_start3A_105 : memref<1000000x128xf32, #tpu.memory_space<hbm>>) target(%arg13 : memref<64x128xf32, #tpu.memory_space<vmem>>) offsets(%dma_start3A_102 : memref<64xi32, #tpu.memory_space<vmem>>) semaphore(%arg20 : memref<!tpu.dma_semaphore, #tpu.memory_space<semaphore_mem>>)
        %dma_start3A_106 = tpu.memref_slice %arg11[%multiple_of3A_97] : memref<512xi32, #tpu.memory_space<vmem>> -> memref<64xi32, #tpu.memory_space<vmem>>
        %dma_start3A_107 = arith.constant 0 : i32
        %dma_start3A_108 = arith.constant 0 : i32
        %dma_start3A_109 = tpu.memref_slice %arg6[%dma_start3A_107, %dma_start3A_108] : memref<1000000x128xf32, #tpu.memory_space<hbm>> -> memref<1000000x128xf32, #tpu.memory_space<hbm>>
        tpu.enqueue_indirect_dma source(%dma_start3A_109 : memref<1000000x128xf32, #tpu.memory_space<hbm>>) target(%arg14 : memref<64x128xf32, #tpu.memory_space<vmem>>) offsets(%dma_start3A_106 : memref<64xi32, #tpu.memory_space<vmem>>) semaphore(%arg20 : memref<!tpu.dma_semaphore, #tpu.memory_space<semaphore_mem>>)
      } else {
      }
      %mul3A_64 = arith.constant 2 : i32
      %mul3A_65 = arith.muli %add3A_39, %mul3A_64 : i32
      %add3A_66 = arith.constant 1 : i32
      %add3A_67 = arith.addi %mul3A_65, %add3A_66 : i32
      %dma_wait3A_68 = arith.constant 0 : i32
      %dma_wait3A_69 = tpu.memref_slice %arg9[%dma_wait3A_68] : memref<512xi32, #tpu.memory_space<vmem>> -> memref<64xi32, #tpu.memory_space<vmem>>
      %dma_wait3A_70 = arith.constant 0 : i32
      %dma_wait3A_71 = arith.constant 0 : i32
      %dma_wait3A_72 = tpu.memref_slice %arg5[%dma_wait3A_70, %dma_wait3A_71] : memref<1000000x128xf32, #tpu.memory_space<hbm>> -> memref<1000000x128xf32, #tpu.memory_space<hbm>>
      tpu.wait_indirect_dma semaphore(%arg21 : memref<!tpu.dma_semaphore, #tpu.memory_space<semaphore_mem>>) src(%dma_wait3A_72 : memref<1000000x128xf32, #tpu.memory_space<hbm>>) dst(%arg15 : memref<64x128xf32, #tpu.memory_space<vmem>>)
      %dma_wait3A_73 = arith.constant 0 : i32
      %dma_wait3A_74 = tpu.memref_slice %arg10[%dma_wait3A_73] : memref<512xi32, #tpu.memory_space<vmem>> -> memref<64xi32, #tpu.memory_space<vmem>>
      %dma_wait3A_75 = arith.constant 0 : i32
      %dma_wait3A_76 = arith.constant 0 : i32
      %dma_wait3A_77 = tpu.memref_slice %arg6[%dma_wait3A_75, %dma_wait3A_76] : memref<1000000x128xf32, #tpu.memory_space<hbm>> -> memref<1000000x128xf32, #tpu.memory_space<hbm>>
      tpu.wait_indirect_dma semaphore(%arg21 : memref<!tpu.dma_semaphore, #tpu.memory_space<semaphore_mem>>) src(%dma_wait3A_77 : memref<1000000x128xf32, #tpu.memory_space<hbm>>) dst(%arg16 : memref<64x128xf32, #tpu.memory_space<vmem>>)
      %dma_wait3A_78 = arith.constant 0 : i32
      %dma_wait3A_79 = tpu.memref_slice %arg11[%dma_wait3A_78] : memref<512xi32, #tpu.memory_space<vmem>> -> memref<64xi32, #tpu.memory_space<vmem>>
      %dma_wait3A_80 = arith.constant 0 : i32
      %dma_wait3A_81 = arith.constant 0 : i32
      %dma_wait3A_82 = tpu.memref_slice %arg6[%dma_wait3A_80, %dma_wait3A_81] : memref<1000000x128xf32, #tpu.memory_space<hbm>> -> memref<1000000x128xf32, #tpu.memory_space<hbm>>
      tpu.wait_indirect_dma semaphore(%arg21 : memref<!tpu.dma_semaphore, #tpu.memory_space<semaphore_mem>>) src(%dma_wait3A_82 : memref<1000000x128xf32, #tpu.memory_space<hbm>>) dst(%arg17 : memref<64x128xf32, #tpu.memory_space<vmem>>)
      %mul3A_83 = arith.constant 64 : i32
      %mul3A_84 = arith.muli %add3A_67, %mul3A_83 : i32
      %parallel_loop3A_85 = arith.constant 0 : i32
      %parallel_loop3A_86 = arith.constant 64 : i32
      %parallel_loop3A_87 = arith.constant 1 : i32
      scf.for %parallel_loop3A_93 = %parallel_loop3A_85 to %parallel_loop3A_86 step %parallel_loop3A_87  : i32 {
        %parallel_loop3A_94 = arith.index_cast %parallel_loop3A_93 : i32 to index
        %parallel_loop3A_95 = arith.constant 0 : index
        %parallel_loop3A_96 = tpu.vector_load %arg15[%parallel_loop3A_94, %parallel_loop3A_95] {strides = array<i32>} : memref<64x128xf32, #tpu.memory_space<vmem>>, vector<16xf32>,
        %parallel_loop3A_97 = arith.index_cast %parallel_loop3A_93 : i32 to index
        %parallel_loop3A_98 = arith.constant 16 : index
        %parallel_loop3A_99 = tpu.vector_load %arg15[%parallel_loop3A_97, %parallel_loop3A_98] {strides = array<i32>} : memref<64x128xf32, #tpu.memory_space<vmem>>, vector<16xf32>,
        %parallel_loop3A_100 = arith.index_cast %parallel_loop3A_93 : i32 to index
        %parallel_loop3A_101 = arith.constant 32 : index
        %parallel_loop3A_102 = tpu.vector_load %arg15[%parallel_loop3A_100, %parallel_loop3A_101] {strides = array<i32>} : memref<64x128xf32, #tpu.memory_space<vmem>>, vector<16xf32>,
        %parallel_loop3A_103 = arith.index_cast %parallel_loop3A_93 : i32 to index
        %parallel_loop3A_104 = arith.constant 48 : index
        %parallel_loop3A_105 = tpu.vector_load %arg15[%parallel_loop3A_103, %parallel_loop3A_104] {strides = array<i32>} : memref<64x128xf32, #tpu.memory_space<vmem>>, vector<16xf32>,
        %parallel_loop3A_106 = arith.index_cast %parallel_loop3A_93 : i32 to index
        %parallel_loop3A_107 = arith.constant 64 : index
        %parallel_loop3A_108 = tpu.vector_load %arg15[%parallel_loop3A_106, %parallel_loop3A_107] {strides = array<i32>} : memref<64x128xf32, #tpu.memory_space<vmem>>, vector<16xf32>,
        %parallel_loop3A_109 = arith.index_cast %parallel_loop3A_93 : i32 to index
        %parallel_loop3A_110 = arith.constant 80 : index
        %parallel_loop3A_111 = tpu.vector_load %arg15[%parallel_loop3A_109, %parallel_loop3A_110] {strides = array<i32>} : memref<64x128xf32, #tpu.memory_space<vmem>>, vector<16xf32>,
        %parallel_loop3A_112 = arith.index_cast %parallel_loop3A_93 : i32 to index
        %parallel_loop3A_113 = arith.constant 96 : index
        %parallel_loop3A_114 = tpu.vector_load %arg15[%parallel_loop3A_112, %parallel_loop3A_113] {strides = array<i32>} : memref<64x128xf32, #tpu.memory_space<vmem>>, vector<16xf32>,
        %parallel_loop3A_115 = arith.index_cast %parallel_loop3A_93 : i32 to index
        %parallel_loop3A_116 = arith.constant 112 : index
        %parallel_loop3A_117 = tpu.vector_load %arg15[%parallel_loop3A_115, %parallel_loop3A_116] {strides = array<i32>} : memref<64x128xf32, #tpu.memory_space<vmem>>, vector<16xf32>,
        %parallel_loop3A_118 = arith.index_cast %parallel_loop3A_93 : i32 to index
        %parallel_loop3A_119 = arith.constant 0 : index
        %parallel_loop3A_120 = tpu.vector_load %arg16[%parallel_loop3A_118, %parallel_loop3A_119] {strides = array<i32>} : memref<64x128xf32, #tpu.memory_space<vmem>>, vector<16xf32>,
        %parallel_loop3A_121 = arith.index_cast %parallel_loop3A_93 : i32 to index
        %parallel_loop3A_122 = arith.constant 16 : index
        %parallel_loop3A_123 = tpu.vector_load %arg16[%parallel_loop3A_121, %parallel_loop3A_122] {strides = array<i32>} : memref<64x128xf32, #tpu.memory_space<vmem>>, vector<16xf32>,
        %parallel_loop3A_124 = arith.index_cast %parallel_loop3A_93 : i32 to index
        %parallel_loop3A_125 = arith.constant 32 : index
        %parallel_loop3A_126 = tpu.vector_load %arg16[%parallel_loop3A_124, %parallel_loop3A_125] {strides = array<i32>} : memref<64x128xf32, #tpu.memory_space<vmem>>, vector<16xf32>,
        %parallel_loop3A_127 = arith.index_cast %parallel_loop3A_93 : i32 to index
        %parallel_loop3A_128 = arith.constant 48 : index
        %parallel_loop3A_129 = tpu.vector_load %arg16[%parallel_loop3A_127, %parallel_loop3A_128] {strides = array<i32>} : memref<64x128xf32, #tpu.memory_space<vmem>>, vector<16xf32>,
        %parallel_loop3A_130 = arith.index_cast %parallel_loop3A_93 : i32 to index
        %parallel_loop3A_131 = arith.constant 64 : index
        %parallel_loop3A_132 = tpu.vector_load %arg16[%parallel_loop3A_130, %parallel_loop3A_131] {strides = array<i32>} : memref<64x128xf32, #tpu.memory_space<vmem>>, vector<16xf32>,
        %parallel_loop3A_133 = arith.index_cast %parallel_loop3A_93 : i32 to index
        %parallel_loop3A_134 = arith.constant 80 : index
        %parallel_loop3A_135 = tpu.vector_load %arg16[%parallel_loop3A_133, %parallel_loop3A_134] {strides = array<i32>} : memref<64x128xf32, #tpu.memory_space<vmem>>, vector<16xf32>,
        %parallel_loop3A_136 = arith.index_cast %parallel_loop3A_93 : i32 to index
        %parallel_loop3A_137 = arith.constant 96 : index
        %parallel_loop3A_138 = tpu.vector_load %arg16[%parallel_loop3A_136, %parallel_loop3A_137] {strides = array<i32>} : memref<64x128xf32, #tpu.memory_space<vmem>>, vector<16xf32>,
        %parallel_loop3A_139 = arith.index_cast %parallel_loop3A_93 : i32 to index
        %parallel_loop3A_140 = arith.constant 112 : index
        %parallel_loop3A_141 = tpu.vector_load %arg16[%parallel_loop3A_139, %parallel_loop3A_140] {strides = array<i32>} : memref<64x128xf32, #tpu.memory_space<vmem>>, vector<16xf32>,
        %parallel_loop3A_142 = arith.index_cast %parallel_loop3A_93 : i32 to index
        %parallel_loop3A_143 = arith.constant 0 : index
        %parallel_loop3A_144 = tpu.vector_load %arg17[%parallel_loop3A_142, %parallel_loop3A_143] {strides = array<i32>} : memref<64x128xf32, #tpu.memory_space<vmem>>, vector<16xf32>,
        %parallel_loop3A_145 = arith.index_cast %parallel_loop3A_93 : i32 to index
        %parallel_loop3A_146 = arith.constant 16 : index
        %parallel_loop3A_147 = tpu.vector_load %arg17[%parallel_loop3A_145, %parallel_loop3A_146] {strides = array<i32>} : memref<64x128xf32, #tpu.memory_space<vmem>>, vector<16xf32>,
        %parallel_loop3A_148 = arith.index_cast %parallel_loop3A_93 : i32 to index
        %parallel_loop3A_149 = arith.constant 32 : index
        %parallel_loop3A_150 = tpu.vector_load %arg17[%parallel_loop3A_148, %parallel_loop3A_149] {strides = array<i32>} : memref<64x128xf32, #tpu.memory_space<vmem>>, vector<16xf32>,
        %parallel_loop3A_151 = arith.index_cast %parallel_loop3A_93 : i32 to index
        %parallel_loop3A_152 = arith.constant 48 : index
        %parallel_loop3A_153 = tpu.vector_load %arg17[%parallel_loop3A_151, %parallel_loop3A_152] {strides = array<i32>} : memref<64x128xf32, #tpu.memory_space<vmem>>, vector<16xf32>,
        %parallel_loop3A_154 = arith.index_cast %parallel_loop3A_93 : i32 to index
        %parallel_loop3A_155 = arith.constant 64 : index
        %parallel_loop3A_156 = tpu.vector_load %arg17[%parallel_loop3A_154, %parallel_loop3A_155] {strides = array<i32>} : memref<64x128xf32, #tpu.memory_space<vmem>>, vector<16xf32>,
        %parallel_loop3A_157 = arith.index_cast %parallel_loop3A_93 : i32 to index
        %parallel_loop3A_158 = arith.constant 80 : index
        %parallel_loop3A_159 = tpu.vector_load %arg17[%parallel_loop3A_157, %parallel_loop3A_158] {strides = array<i32>} : memref<64x128xf32, #tpu.memory_space<vmem>>, vector<16xf32>,
        %parallel_loop3A_160 = arith.index_cast %parallel_loop3A_93 : i32 to index
        %parallel_loop3A_161 = arith.constant 96 : index
        %parallel_loop3A_162 = tpu.vector_load %arg17[%parallel_loop3A_160, %parallel_loop3A_161] {strides = array<i32>} : memref<64x128xf32, #tpu.memory_space<vmem>>, vector<16xf32>,
        %parallel_loop3A_163 = arith.index_cast %parallel_loop3A_93 : i32 to index
        %parallel_loop3A_164 = arith.constant 112 : index
        %parallel_loop3A_165 = tpu.vector_load %arg17[%parallel_loop3A_163, %parallel_loop3A_164] {strides = array<i32>} : memref<64x128xf32, #tpu.memory_space<vmem>>, vector<16xf32>,
        %parallel_loop3A_166 = arith.mulf %parallel_loop3A_96, %parallel_loop3A_120 : vector<16xf32>
        %parallel_loop3A_167 = arith.mulf %parallel_loop3A_99, %parallel_loop3A_123 : vector<16xf32>
        %parallel_loop3A_168 = arith.mulf %parallel_loop3A_102, %parallel_loop3A_126 : vector<16xf32>
        %parallel_loop3A_169 = arith.mulf %parallel_loop3A_105, %parallel_loop3A_129 : vector<16xf32>
        %parallel_loop3A_170 = arith.mulf %parallel_loop3A_108, %parallel_loop3A_132 : vector<16xf32>
        %parallel_loop3A_171 = arith.mulf %parallel_loop3A_111, %parallel_loop3A_135 : vector<16xf32>
        %parallel_loop3A_172 = arith.mulf %parallel_loop3A_114, %parallel_loop3A_138 : vector<16xf32>
        %parallel_loop3A_173 = arith.mulf %parallel_loop3A_117, %parallel_loop3A_141 : vector<16xf32>
        %parallel_loop3A_174 = arith.mulf %parallel_loop3A_96, %parallel_loop3A_144 : vector<16xf32>
        %parallel_loop3A_175 = arith.mulf %parallel_loop3A_99, %parallel_loop3A_147 : vector<16xf32>
        %parallel_loop3A_176 = arith.mulf %parallel_loop3A_102, %parallel_loop3A_150 : vector<16xf32>
        %parallel_loop3A_177 = arith.mulf %parallel_loop3A_105, %parallel_loop3A_153 : vector<16xf32>
        %parallel_loop3A_178 = arith.mulf %parallel_loop3A_108, %parallel_loop3A_156 : vector<16xf32>
        %parallel_loop3A_179 = arith.mulf %parallel_loop3A_111, %parallel_loop3A_159 : vector<16xf32>
        %parallel_loop3A_180 = arith.mulf %parallel_loop3A_114, %parallel_loop3A_162 : vector<16xf32>
        %parallel_loop3A_181 = arith.mulf %parallel_loop3A_117, %parallel_loop3A_165 : vector<16xf32>
        %parallel_loop3A_182 = arith.addf %parallel_loop3A_166, %parallel_loop3A_167 : vector<16xf32>
        %parallel_loop3A_183 = arith.addf %parallel_loop3A_168, %parallel_loop3A_169 : vector<16xf32>
        %parallel_loop3A_184 = arith.addf %parallel_loop3A_170, %parallel_loop3A_171 : vector<16xf32>
        %parallel_loop3A_185 = arith.addf %parallel_loop3A_172, %parallel_loop3A_173 : vector<16xf32>
        %parallel_loop3A_186 = arith.addf %parallel_loop3A_174, %parallel_loop3A_175 : vector<16xf32>
        %parallel_loop3A_187 = arith.addf %parallel_loop3A_176, %parallel_loop3A_177 : vector<16xf32>
        %parallel_loop3A_188 = arith.addf %parallel_loop3A_178, %parallel_loop3A_179 : vector<16xf32>
        %parallel_loop3A_189 = arith.addf %parallel_loop3A_180, %parallel_loop3A_181 : vector<16xf32>
        %parallel_loop3A_190 = arith.addf %parallel_loop3A_182, %parallel_loop3A_183 : vector<16xf32>
        %parallel_loop3A_191 = arith.addf %parallel_loop3A_184, %parallel_loop3A_185 : vector<16xf32>
        %parallel_loop3A_192 = arith.addf %parallel_loop3A_186, %parallel_loop3A_187 : vector<16xf32>
        %parallel_loop3A_193 = arith.addf %parallel_loop3A_188, %parallel_loop3A_189 : vector<16xf32>
        %parallel_loop3A_194 = arith.addf %parallel_loop3A_190, %parallel_loop3A_191 : vector<16xf32>
        %parallel_loop3A_195 = arith.addf %parallel_loop3A_192, %parallel_loop3A_193 : vector<16xf32>
        %parallel_loop3A_196 = arith.addi %mul3A_84, %parallel_loop3A_93 : i32
        %parallel_loop3A_197 = vector.broadcast %parallel_loop3A_196 : i32 to vector<16xi32>
        %parallel_loop3A_198 = arith.constant true
        %parallel_loop3A_199 = vector.broadcast %parallel_loop3A_198 : i1 to vector<16xi1>
        %parallel_loop3A_200 = tpu.scan <sum>, %parallel_loop3A_194 masked %parallel_loop3A_199 : vector<16xf32>, vector<16xi1> -> vector<16xf32>
        tpu.vector_store_idx %arg18[%parallel_loop3A_197], %parallel_loop3A_200 masked %eq3A_4 : memref<512xf32, #tpu.memory_space<vmem>>[vector<16xi32>], vector<16xf32>, vector<16xi1>
        %parallel_loop3A_201 = arith.constant true
        %parallel_loop3A_202 = vector.broadcast %parallel_loop3A_201 : i1 to vector<16xi1>
        %parallel_loop3A_203 = tpu.scan <sum>, %parallel_loop3A_195 masked %parallel_loop3A_202 : vector<16xf32>, vector<16xi1> -> vector<16xf32>
        tpu.vector_store_idx %arg19[%parallel_loop3A_197], %parallel_loop3A_203 masked %eq3A_4 : memref<512xf32, #tpu.memory_space<vmem>>[vector<16xi32>], vector<16xf32>, vector<16xi1>
      } {sc.loop_unroll_factor = 2 : i64, sc.parallel_access}
      %lt3A_88 = arith.constant 3 : i32
      %lt3A_89 = arith.cmpi slt, %add3A_39, %lt3A_88 : i32
      %convert_element_type3A_90 = arith.extui %lt3A_89 : i1 to i32
      %cond3A_91 = arith.constant 0 : i32
      %cond3A_92 = arith.cmpi ne, %convert_element_type3A_90, %cond3A_91 : i32
      scf.if %cond3A_92 {
        %add3A_93 = arith.constant 2 : i32
        %add3A_94 = arith.addi %add3A_67, %add3A_93 : i32
        %mul3A_95 = arith.constant 64 : i32
        %mul3A_96 = arith.muli %add3A_94, %mul3A_95 : i32
        %multiple_of3A_97 = tpu.assume_multiple %mul3A_96, 64 : i32
        %dma_start3A_98 = tpu.memref_slice %arg9[%multiple_of3A_97] : memref<512xi32, #tpu.memory_space<vmem>> -> memref<64xi32, #tpu.memory_space<vmem>>
        %dma_start3A_99 = arith.constant 0 : i32
        %dma_start3A_100 = arith.constant 0 : i32
        %dma_start3A_101 = tpu.memref_slice %arg5[%dma_start3A_99, %dma_start3A_100] : memref<1000000x128xf32, #tpu.memory_space<hbm>> -> memref<1000000x128xf32, #tpu.memory_space<hbm>>
        tpu.enqueue_indirect_dma source(%dma_start3A_101 : memref<1000000x128xf32, #tpu.memory_space<hbm>>) target(%arg15 : memref<64x128xf32, #tpu.memory_space<vmem>>) offsets(%dma_start3A_98 : memref<64xi32, #tpu.memory_space<vmem>>) semaphore(%arg21 : memref<!tpu.dma_semaphore, #tpu.memory_space<semaphore_mem>>)
        %dma_start3A_102 = tpu.memref_slice %arg10[%multiple_of3A_97] : memref<512xi32, #tpu.memory_space<vmem>> -> memref<64xi32, #tpu.memory_space<vmem>>
        %dma_start3A_103 = arith.constant 0 : i32
        %dma_start3A_104 = arith.constant 0 : i32
        %dma_start3A_105 = tpu.memref_slice %arg6[%dma_start3A_103, %dma_start3A_104] : memref<1000000x128xf32, #tpu.memory_space<hbm>> -> memref<1000000x128xf32, #tpu.memory_space<hbm>>
        tpu.enqueue_indirect_dma source(%dma_start3A_105 : memref<1000000x128xf32, #tpu.memory_space<hbm>>) target(%arg16 : memref<64x128xf32, #tpu.memory_space<vmem>>) offsets(%dma_start3A_102 : memref<64xi32, #tpu.memory_space<vmem>>) semaphore(%arg21 : memref<!tpu.dma_semaphore, #tpu.memory_space<semaphore_mem>>)
        %dma_start3A_106 = tpu.memref_slice %arg11[%multiple_of3A_97] : memref<512xi32, #tpu.memory_space<vmem>> -> memref<64xi32, #tpu.memory_space<vmem>>
        %dma_start3A_107 = arith.constant 0 : i32
        %dma_start3A_108 = arith.constant 0 : i32
        %dma_start3A_109 = tpu.memref_slice %arg6[%dma_start3A_107, %dma_start3A_108] : memref<1000000x128xf32, #tpu.memory_space<hbm>> -> memref<1000000x128xf32, #tpu.memory_space<hbm>>
        tpu.enqueue_indirect_dma source(%dma_start3A_109 : memref<1000000x128xf32, #tpu.memory_space<hbm>>) target(%arg17 : memref<64x128xf32, #tpu.memory_space<vmem>>) offsets(%dma_start3A_106 : memref<64xi32, #tpu.memory_space<vmem>>) semaphore(%arg21 : memref<!tpu.dma_semaphore, #tpu.memory_space<semaphore_mem>>)
      } else {
      }
    }
    %scan3A_34 = arith.constant 4 : i32
    "tpu.region"() ({
      %run_scoped3A = tpu.sem_alloc : memref<!tpu.dma_semaphore, #tpu.memory_space<semaphore_mem>>
      %dma_start3A_35 = tpu.memref_slice %arg7[%mul3A_2] : memref<16384xf32, #tpu.memory_space<hbm>> -> memref<512xf32, #tpu.memory_space<hbm>>
      %dma_start3A_36 = tpu.memref_slice %arg7[%mul3A_2] : memref<16384xf32, #tpu.memory_space<hbm>> -> memref<512xf32, #tpu.memory_space<hbm>>
      tpu.enqueue_dma source(%arg18 : memref<512xf32, #tpu.memory_space<vmem>>) target(%dma_start3A_36 : memref<512xf32, #tpu.memory_space<hbm>>) target_semaphore(%run_scoped3A : memref<!tpu.dma_semaphore, #tpu.memory_space<semaphore_mem>>)
      %dma_wait3A = tpu.memref_slice %arg7[%mul3A_2] : memref<16384xf32, #tpu.memory_space<hbm>> -> memref<512xf32, #tpu.memory_space<hbm>>
      %dma_wait3A_37 = tpu.memref_slice %arg7[%mul3A_2] : memref<16384xf32, #tpu.memory_space<hbm>> -> memref<512xf32, #tpu.memory_space<hbm>>
      tpu.wait_dma2 semaphore(%run_scoped3A : memref<!tpu.dma_semaphore, #tpu.memory_space<semaphore_mem>>) src(%arg18 : memref<512xf32, #tpu.memory_space<vmem>>) dst(%dma_wait3A_37 : memref<512xf32, #tpu.memory_space<hbm>>)
      tpu.yield
    }) : () -> ()
    "tpu.region"() ({
      %run_scoped3A = tpu.sem_alloc : memref<!tpu.dma_semaphore, #tpu.memory_space<semaphore_mem>>
      %dma_start3A_35 = tpu.memref_slice %arg8[%mul3A_2] : memref<16384xf32, #tpu.memory_space<hbm>> -> memref<512xf32, #tpu.memory_space<hbm>>
      %dma_start3A_36 = tpu.memref_slice %arg8[%mul3A_2] : memref<16384xf32, #tpu.memory_space<hbm>> -> memref<512xf32, #tpu.memory_space<hbm>>
      tpu.enqueue_dma source(%arg19 : memref<512xf32, #tpu.memory_space<vmem>>) target(%dma_start3A_36 : memref<512xf32, #tpu.memory_space<hbm>>) target_semaphore(%run_scoped3A : memref<!tpu.dma_semaphore, #tpu.memory_space<semaphore_mem>>)
      %dma_wait3A = tpu.memref_slice %arg8[%mul3A_2] : memref<16384xf32, #tpu.memory_space<hbm>> -> memref<512xf32, #tpu.memory_space<hbm>>
      %dma_wait3A_37 = tpu.memref_slice %arg8[%mul3A_2] : memref<16384xf32, #tpu.memory_space<hbm>> -> memref<512xf32, #tpu.memory_space<hbm>>
      tpu.wait_dma2 semaphore(%run_scoped3A : memref<!tpu.dma_semaphore, #tpu.memory_space<semaphore_mem>>) src(%arg19 : memref<512xf32, #tpu.memory_space<vmem>>) dst(%dma_wait3A_37 : memref<512xf32, #tpu.memory_space<hbm>>)
      tpu.yield
    }) : () -> ()
    return
  }
}

</mosaic_0001>

<sc_bundles>
// kernel: kernel.3.cloned.1.call-start
scs
__scs_entry_jumppad:
0x0: {  	(pc) =	sbr.rel $0x88, $3  }
0x1: {  	(tag) =	ssettag $0x0;
	lr =	simm.s32 $0x1  }
0x2: {  	[smem:$0x3F9C] =	sst lr;
	_ =	strace $0xD0000000  }
0x3: {  	_ = 	snop  }
0x4: {  	_ = 	snop  }
0x5: {  	_ = 	snop  }
0x6: {  	_ = 	snop  }
0x7: {  	_ = 	snop  }
__scs_overlays_trampoline_lowered:
0x8: {  	[smem:$0x3FAB] =	sst s0  }
0x9: {  	[smem:$0x3FAC] =	sst s1  }
0xa: {  	[smem:$0x3FAD] =	sst s2  }
0xb: {  	[smem:$0x3FAE] =	sst s3  }
0xc: {  	[smem:$0x3FAF] =	sst s4  }
0xd: {  	[smem:$0x3FB0] =	sst s5  }
0xe: {  	[smem:$0x3FB1] =	sst s6  }
0xf: {  	[smem:$0x3FB2] =	sst s7  }
0x10: {  	[smem:$0x3FB3] =	sst s8  }
0x11: {  	[smem:$0x3FB4] =	sst s9;
	s0 =	simm.s32 @!p0 $0x0  }
0x12: {  	s1 =	sld [smem:$0x3F9A];
	s0 =	simm.s32 @p0 $0x1  }
0x13: {  	[smem:$0x3FB5] =	sst s0;
	s0 =	simm.s32 @!p1 $0x0  }
0x14: {  	s2 =	sld [smem:$0x3F99];
	s0 =	simm.s32 @p1 $0x1  }
0x15: {  	[smem:$0x3FB6] =	sst s0;
	s0 =	simm.s32 @!p2 $0x0  }
0x16: {  	s3 =	sld [smem:$0x3FDB];
	s0 =	simm.s32 @p2 $0x1  }
0x17: {  	s4 =	simm.s32 $0x1BF5;
	[smem:$0x3FB8] =	sst s0  }
0x18: {  	s0 =	sld [smem:$0x3F9B];
	_ =	swait.ge [sflag:s4], $0x0  }
0x19: {  	s7 =	sld [smem:$0x3F9C]  }
0x1a: {  	s8 =	sadd.s32 $0xFFFFE003, lr  }
0x1b: {  	s9 =	sadd.s32 $0xFFFFFEF7, lr;
	s5 =	simm.s32 $0xFFFFFFFF;
	p2 =	slt.u32 s8, $0xFFFFF086  }
0x1c: {  	p1 =	slt.u32 s9, $0xF7A;
	s5 =	simm.s32 @!p2 $0x0  }
0x1d: {  	s5 =	simm.s32 @p1 $0x1;
	p0 =	seq.s32 s7, s2  }
0x1e: {  	s7 =	smul.u32 @!p0 $0xF7A, s2;
	p2 =	seq.s32 @!p0 s5, $0x0  }
0x1f: {  	s9 =	smul.u32 $0xF7A, s1;
	s8 =	simm.s32 @!p0 $0x1BF5;
	p2 =	por !p2, p0  }
0x20: {  	[sflag:s8] =	ssyncset.s32 @!p0 $0xFFFFF086;
	s6 =	sadd.s32 @!p0 s3, s7;
	s7 =	simm.s32 @!p0 $0x108  }
0x21: {  	s3 =	sadd.s32 s3, s9;
	s6 =	sadd.s32 @!p0 $0x88, s6;
	s7 =	simm.s32 @p2 $0x1082  }
0x22: {  	[simem:s7], [sflag:s8] =	dma.local @!p0 [hbm:s6], $0xF7A  }
0x23: {  	s9 =	sor.u32 $0xD0000000, s2;
	s6 =	simm.s32 $0x108;
	_ =	swait.ge @!p0 [sflag:s8], $0x0  }
0x24: {  	s3 =	sadd.s32 $0x88, s3;
	s6 =	simm.s32 @!p1 $0x1082;
	[sflag:s4] =	ssyncset.s32 $0xFFFFF086  }
0x25: {  	[simem:s6], [sflag:s4] =	dma.local [hbm:s3], $0xF7A  }
0x26: {  	[smem:$0x3F9C] =	sst s1;
	(tag) =	ssettag s2;
	_ =	strace s9  }
0x27: {  	s1 =	sld [smem:$0x3FAC]  }
0x28: {  	s2 =	sld [smem:$0x3FAD]  }
0x29: {  	s4 =	sld [smem:$0x3FAF]  }
0x2a: {  	p0 =	seq.s32 s5, $0x0;
	s5 =	sld [smem:$0x3FB0]  }
0x2b: {  	s6 =	sld [smem:$0x3FB1]  }
0x2c: {  	s7 =	sld [smem:$0x3FB2]  }
0x2d: {  	s3 =	simm.s32 $0x108;
	s8 =	sld [smem:$0x3FB3]  }
0x2e: {  	s3 =	simm.s32 @!p0 $0x1082;
	s9 =	sld [smem:$0x3FB4]  }
0x2f: {  	lr =	sadd.s32 s0, s3;
	s0 =	sld [smem:$0x3FAB]  }
0x30: {  	s3 =	sld [smem:$0x3FAE]  }
0x31: {  	[smem:$0x3FB7] =	sst s10  }
0x32: {  	s10 =	sld [smem:$0x3FB5];
	_ =	sdelay $0x3  }
0x33: {  	p0 =	seq.s32 s10, $0x1;
	s10 =	sld [smem:$0x3FB7];
	_ =	sdelay $0x3  }
0x34: {  	[smem:$0x3FB7] =	sst s10  }
0x35: {  	s10 =	sld [smem:$0x3FB6];
	_ =	sdelay $0x3  }
0x36: {  	p1 =	seq.s32 s10, $0x1;
	s10 =	sld [smem:$0x3FB7];
	_ =	sdelay $0x3  }
0x37: {  	[smem:$0x3FB7] =	sst s10  }
0x38: {  	s10 =	sld [smem:$0x3FB8]  }
0x39: {  	_ = 	snop;
	(pc) =	sbr.ind lr, $3  }
0x3a: {  	_ = 	snop  }
0x3b: {  	_ = 	snop  }
0x3c: {  	p2 =	seq.s32 s10, $0x1;
	s10 =	sld [smem:$0x3FB7]  }
0x3d: {  	_ =	shalt  }
0x3e: {  	_ =	shalt  }
0x3f: {  	_ =	shalt  }
0x40: {  	_ =	shalt  }
0x41: {  	_ =	shalt  }
0x42: {  	_ =	shalt  }
0x43: {  	_ =	shalt  }
0x44: {  	_ =	shalt  }
0x45: {  	_ =	shalt  }
0x46: {  	_ =	shalt  }
0x47: {  	_ =	shalt  }
0x48: {  	_ =	shalt  }
0x49: {  	_ =	shalt  }
0x4a: {  	_ =	shalt  }
0x4b: {  	_ =	shalt  }
0x4c: {  	_ =	shalt  }
0x4d: {  	_ =	shalt  }
0x4e: {  	_ =	shalt  }
0x4f: {  	_ =	shalt  }
0x50: {  	_ =	shalt  }
0x51: {  	_ =	shalt  }
0x52: {  	_ =	shalt  }
0x53: {  	_ =	shalt  }
0x54: {  	_ =	shalt  }
0x55: {  	_ =	shalt  }
0x56: {  	_ =	shalt  }
0x57: {  	_ =	shalt  }
0x58: {  	_ =	shalt  }
0x59: {  	_ =	shalt  }
0x5a: {  	_ =	shalt  }
0x5b: {  	_ =	shalt  }
0x5c: {  	_ =	shalt  }
0x5d: {  	_ =	shalt  }
0x5e: {  	_ =	shalt  }
0x5f: {  	_ =	shalt  }
0x60: {  	_ =	shalt  }
0x61: {  	_ =	shalt  }
0x62: {  	_ =	shalt  }
0x63: {  	_ =	shalt  }
0x64: {  	_ =	shalt  }
0x65: {  	_ =	shalt  }
0x66: {  	_ =	shalt  }
0x67: {  	_ =	shalt  }
0x68: {  	_ =	shalt  }
0x69: {  	_ =	shalt  }
0x6a: {  	_ =	shalt  }
0x6b: {  	_ =	shalt  }
0x6c: {  	_ =	shalt  }
0x6d: {  	_ =	shalt  }
0x6e: {  	_ =	shalt  }
0x6f: {  	_ =	shalt  }
0x70: {  	_ =	shalt  }
0x71: {  	_ =	shalt  }
0x72: {  	_ =	shalt  }
0x73: {  	_ =	shalt  }
0x74: {  	_ =	shalt  }
0x75: {  	_ =	shalt  }
0x76: {  	_ =	shalt  }
0x77: {  	_ =	shalt  }
0x78: {  	_ =	shalt  }
0x79: {  	_ =	shalt  }
0x7a: {  	_ =	shalt  }
0x7b: {  	_ =	shalt  }
0x7c: {  	_ =	shalt  }
0x7d: {  	_ =	shalt  }
0x7e: {  	_ =	shalt  }
0x7f: {  	_ =	shalt  }
0x80: {  	_ =	shalt  }
0x81: {  	_ =	shalt  }
0x82: {  	_ =	shalt  }
0x83: {  	_ =	shalt  }
0x84: {  	_ =	shalt  }
0x85: {  	_ =	shalt  }
0x86: {  	_ =	shalt  }
0x87: {  	_ =	shalt  }
.Lfunc_end0:
.L_simem_size_0:
called_computation_lowered:
.L_overlay_start_0:
0x88: {  	s2 =	sld [smem:$0x3FD9]  }
0x89: {  	s3 =	sld [smem:$0x3FFE];
	_ =	sdelay $0x1  }
0x8a: {  	s1 =	srdreg.scid  }
0x8b: {  	s0 =	sand.u32 $0x1, s1  }
0x8c: {  	s15 =	sshll.u32 s0, $0xA;
	s2 =	sadd.s32 s3, s2  }
0x8d: {  	s2 =	sadd.s32 s2, s15  }
0x8e: {  	[smem:$0x3FC3] =	sst s2  }
0x8f: {  	_ = 	snop  }
0x90: {  	s2 =	sld [smem:$0x3FC9]  }
0x91: {  	s16 =	sld [smem:$0x3FC8]  }
0x92: {  	s4 =	sld [smem:$0x3FD0]  }
0x93: {  	s5 =	sld [smem:$0x3FC7]  }
0x94: {  	s6 =	sld [smem:$0x3FC6]  }
0x95: {  	s8 =	simm.s32 $0xA;
	s9 =	simm.s32 $0x10;
	s7 =	sld [smem:$0x3FC5]  }
0x96: {  	[smem:s9], [sflag:s8] =	dma.local [hbm:s4], $0x1  }
0x97: {  	_ =	swait.eq [sflag:s8], $0x1  }
0x98: {  	[sflag:s8] =	ssyncset.done $0x0  }
0x99: {  	s17 =	sld [smem:$0x10];
	[sflag:s8] =	ssyncadd.s32 $0xFFFFFFFF  }
0x9a: {  	s18 =	sld [smem:$0x11];
	(tm) =	ssettm $0x1  }
0x9b: {  	s19 =	sld [smem:$0x3FFB];
	_ =	sdelay $0x3  }
0x9c: {  	_ =	strace s19  }
0x9d: {  	s9 =	sld [smem:$0x3FFC];
	_ =	sdelay $0x3  }
0x9e: {  	_ =	strace s9  }
0x9f: {  	s9 =	sld [smem:$0x3FFD];
	_ =	sdelay $0x3  }
0xa0: {  	_ =	strace s9  }
0xa1: {  	_ =	strace $0x8FFFFFFF  }
0xa2: {  	s20 =	sld [smem:$0x3FDB];
	_ =	sdelay $0x1  }
0xa3: {  	s10 =	simm.s32 $_scs_section_size  }
0xa4: {  	s11 =	simm.s32 $_size__tile_overlayer_lowered;
	s12 =	simm.s32 $_tile_overlayer_lowered  }
0xa5: {  	s23 =	simm.s32 $0x1BFF;
	s22 =	sshll.u32 s12, $0x1;
	s9 =	sadd.s32 s10, s20  }
0xa6: {  	s13 =	simm.s32 $0x0;
	s21 =	sshll.u32 s11, $0x1;
	s11 =	sadd.s32 s22, s9  }
0xa7: {  	[timem:s13], [sflag:s23] =	dma.local [hbm:s11], s21  }
0xa8: {  	_ =	swait.ge [sflag:s23], s21  }
0xa9: {  	s10 =	ssub.s32 $0x0, s21;
	[sflag:s23] =	ssyncset.done $0x0  }
0xaa: {  	[sflag:s23] =	ssyncadd.s32 s10;
	_ =	sdelay $0x1  }
0xab: {  	s24 =	simm.s32 $0x1B8B  }
0xac: {  	_ =	swait.ge [sflag:s24], $0x1  }
0xad: {  	[sflag:s24] =	ssyncset.done $0x0  }
0xae: {  	s25 =	simm.s32 $0x1B8E;
	[sflag:s24] =	ssyncadd.s32 $0xFFFFFFFF  }
0xaf: {  	s26 =	simm.s32 $execute0_lowered;
	[smem:$0x3FD2] =	sst s25  }
0xb0: {  	s10 =	sshll.u32 s26, $0x1;
	_ =	strace $0x80000046;
	[dreg:$0x1] =	wrdreg $0xFFFFFFFF  }
0xb1: {  	s28 =	simm.s32 $_size_execute0_lowered;
	s9 =	sadd.s32 s9, s10;
	[dreg:$0x0] =	wrdreg $0x0  }
0xb2: {  	s10 =	sshll.u32 s28, $0x1;
	[dreg:$0x2] =	wrdreg s9  }
0xb3: {  	[dreg:$0x3] =	wrdreg s10  }
0xb4: {  	[dreg:$0x4] =	wrdreg $0xC0  }
0xb5: {  	_ =	task [dreg:s13], $0x5FFFF  }
0xb6: {  	[dreg:$0x1] =	wrdreg $0xFFFFFFFF  }
0xb7: {  	[dreg:$0x0] =	wrdreg $0x60  }
0xb8: {  	[dreg:$0x2] =	wrdreg s2  }
0xb9: {  	[dreg:$0x3] =	wrdreg s16  }
0xba: {  	[dreg:$0x4] =	wrdreg s5  }
0xbb: {  	[dreg:$0x5] =	wrdreg s6  }
0xbc: {  	[dreg:$0x6] =	wrdreg s7  }
0xbd: {  	[dreg:$0x7] =	wrdreg s17  }
0xbe: {  	[dreg:$0x8] =	wrdreg s18  }
0xbf: {  	[dreg:$0x9] =	wrdreg $0x9  }
0xc0: {  	_ =	task.clear_ibuf [dreg:s13], $0xAFFFF;
	_ =	strace $0x90000046  }
0xc1: {  	s29 =	simm.s32 $0x9;
	_ =	strace $0x80000048  }
0xc2: {  	_ =	swait.ge [sflag:s29], $0x1  }
0xc3: {  	[sflag:s29] =	ssyncadd.s32 $0xFFFFFFFF  }
0xc4: {  	_ =	strace $0x90000048  }
0xc5: {  	_ =	sfence  }
0xc6: {  	s30 =	sld [smem:$0x0];
	_ =	sdelay $0x2  }
0xc7: {  	s31 =	sshll.u32 s1, $0xD;
	s1 =	sshrl.u32 s1, $0x2  }
0xc8: {  	s3 =	sand.u32 $0x4000, s31;
	s1 =	sadd.s32 s1, s30  }
0xc9: {  	s0 =	sor.u32 s3, s0;
	s1 =	sshll.u32 s1, $0x11  }
0xca: {  	s0 =	sor.u32 s1, s0  }
0xcb: {  	s0 =	sadd.s32 $0x8F2B, s0  }
0xcc: {  	[sflag:s0] =	ssyncadd.remote.s32 $0x1  }
0xcd: {  	_ =	sfence.sel $0xFFFF  }
0xce: {  	[dreg:$0x0] =	wrdreg $0xFFFFFFFF;
	(pc) =	sbr.abs _section_cstart, $3  }
0xcf: {  	[dreg:$0x1] =	wrdreg $0xFFFFFFFF  }
0xd0: {  	_ =	task.clear_ibuf [dreg:s13], $0x2FFFF;
	_ =	strace $0x9FFFFFFF  }
0xd1: {  	(tm) =	ssettm $0x7FFFFFFF  }
tec
execute0_lowered:
.L_overlay_start_1:
0x0: {  	(tag) =	ssettag $0x1  }
0x1: {  	s0 =	rddreg [dreg:$0x0]  }
0x2: {  	s3 =	rddreg [dreg:$0x1]  }
0x3: {  	s7 =	rddreg [dreg:$0x2]  }
0x4: {  	s1 =	rddreg [dreg:$0x3]  }
0x5: {  	s2 =	rddreg [dreg:$0x4]  }
0x6: {  	s8 =	rddreg [dreg:$0x5]  }
0x7: {  	s9 =	rddreg [dreg:$0x6];
	s4 =	simm.s32 $0x0;
	s5 =	srdreg.scid  }
0x8: {  	s10 =	stileid.u32;
	s12 =	simm.s32 $0x200;
	s13 =	simm.s32 $0x400  }
0x9: {  	s14 =	simm.s32 $0x40;
	s18 =	simm.s32 $0x6600;
	s20 =	simm.s32 $0x8600  }
0xa: {  	s21 =	simm.s32 $0x440;
	s22 =	simm.s32 $0xA600;
	s23 =	simm.s32 $0x1  }
0xb: {  	s24 =	simm.s32 $0xC600;
	s25 =	simm.s32 $0xC800;
	s26 =	simm.s32 $0x2  }
0xc: {  	s28 =	simm.s32 $0x0;
	s5 =	sand.u32 $0x1, s5;
	s10 =	sshll.u32 s10, $0x7  }
.Ltmp0:
0xd: {  	s6 =	ssub.s32 $0x2, s5;
	s5 =	sshll.u32 s5, $0x6;
	(pc) =	sbr.rel .LBB2_1-.Ltmp0, $4  }
0xe: {  	[smem:$0x7FF] =	sst s4;
	s11 =	sshrl.u32 s6, $0x1;
	s10 =	sor.u32 s5, s10  }
0xf: {  	_ =	strace $0x80000047;
	s11 =	ssub.s32 s6, s11;
	s5 =	sadd.s32 s0, s10  }
0x10: {  	s6 =	sadd.s32 s3, s10;
	s7 =	sadd.s32 s7, s10;
	s8 =	sadd.s32 s8, s10  }
0x11: {  	vm0 =	vcmask $0x3F3C;
	s9 =	sadd.s32 s9, s10;
	s10 =	smax.u32 s11, $0x1;
	s11 =	simm.s32 $0x3  }
.LBB2_8:
0x12: {  	[hbm4b:s8+s4] =	stream.linear.scatter [tilespmem:s24], [sflag:$0x3], $0x200, $0x38;
	[tilespmem:$0xCA00] =	vst v63  }
0x13: {  	s28 =	sadd.s32 $0x1, s28;
	_ =	swait.ge [sflag:s11], $0x200  }
0x14: {  	p0 =	sne.s32 s28, s10;
	[sflag:s11] =	ssyncset.done $0x0  }
.Ltmp1:
0x15: {  	[sflag:s11] =	ssyncadd.s32 $0xFFFFFE00;
	(pc) =	sbr.rel @!p0 .LBB2_9-.Ltmp1, $4  }
0x16: {  	[hbm4b:s9+s4] =	stream.linear.scatter [tilespmem:s25], [sflag:$0x3], $0x200, $0x38;
	[tilespmem:$0xCA00] =	vst v63  }
0x17: {  	_ =	swait.ge [sflag:s11], $0x200  }
0x18: {  	[sflag:s11] =	ssyncset.done $0x0  }
0x19: {  	[sflag:s11] =	ssyncadd.s32 $0xFFFFFE00  }
.LBB2_1:
0x1a: {  	[tilespmem:s4], [sflag:$0x3] =	stream.linear.gather [hbm4b:s5+s4], $0x200, $0x38;
	[tilespmem:$0xCA00] =	vst v63  }
0x1b: {  	_ =	swait.ge [sflag:s11], $0x200  }
0x1c: {  	[sflag:s11] =	ssyncset.done $0x0  }
0x1d: {  	[sflag:s11] =	ssyncadd.s32 $0xFFFFFE00  }
0x1e: {  	[tilespmem:s12], [sflag:$0x3] =	stream.linear.gather [hbm4b:s6+s4], $0x200, $0x38;
	[tilespmem:$0xCA00] =	vst v63  }
0x1f: {  	_ =	swait.ge [sflag:s11], $0x200  }
0x20: {  	[sflag:s11] =	ssyncset.done $0x0  }
0x21: {  	[sflag:s11] =	ssyncadd.s32 $0xFFFFFE00  }
0x22: {  	[tilespmem:s13], [sflag:$0x3] =	stream.linear.gather [hbm4b:s7+s4], $0x200, $0x38;
	[tilespmem:$0xCA00] =	vst v63  }
0x23: {  	_ =	swait.ge [sflag:s11], $0x200  }
0x24: {  	[sflag:s11] =	ssyncset.done $0x0  }
0x25: {  	s0 =	simm.s32 $0x600;
	[sflag:s11] =	ssyncadd.s32 $0xFFFFFE00  }
0x26: {  	[tilespmem:s0], [sflag:$0x1] =	stream.indirect.gather [hbm4b:s1+s14], $0x80, s4, s14, $0xb8;
	[tilespmem:$0xCA00] =	vst v63  }
0x27: {  	s17 =	simm.s32 $0x2600  }
0x28: {  	[tilespmem:s17], [sflag:$0x1] =	stream.indirect.gather [hbm4b:s2+s14], $0x80, s12, s14, $0xb8;
	[tilespmem:$0xCA00] =	vst v63  }
0x29: {  	s19 =	simm.s32 $0x4600  }
0x2a: {  	[tilespmem:s19], [sflag:$0x1] =	stream.indirect.gather [hbm4b:s2+s14], $0x80, s13, s14, $0xb8;
	[tilespmem:$0xCA00] =	vst v63  }
0x2b: {  	_ = 	snop  }
0x2c: {  	[tilespmem:s18], [sflag:$0x2] =	stream.indirect.gather [hbm4b:s1+s14], $0x80, s14, s14, $0xb8;
	[tilespmem:$0xCA00] =	vst v63  }
0x2d: {  	s31 =	simm.s32 $0x240  }
0x2e: {  	[tilespmem:s20], [sflag:$0x2] =	stream.indirect.gather [hbm4b:s2+s14], $0x80, s31, s14, $0xb8;
	[tilespmem:$0xCA00] =	vst v63  }
0x2f: {  	s29 =	simm.s32 $0x0;
	s30 =	simm.s32 $0x0  }
0x30: {  	[tilespmem:s22], [sflag:$0x2] =	stream.indirect.gather [hbm4b:s2+s14], $0x80, s21, s14, $0xb8;
	[tilespmem:$0xCA00] =	vst v63  }
.LBB2_2:
0x31: {  	_ =	swait.ge [sflag:s23], $0x2000  }
0x32: {  	[sflag:s23] =	ssyncset.done $0x0  }
0x33: {  	[sflag:s23] =	ssyncadd.s32 $0xFFFFE000  }
0x34: {  	_ =	swait.ge [sflag:s23], $0x2000  }
0x35: {  	[sflag:s23] =	ssyncset.done $0x0  }
0x36: {  	[sflag:s23] =	ssyncadd.s32 $0xFFFFE000  }
0x37: {  	_ =	swait.ge [sflag:s23], $0x2000  }
0x38: {  	[sflag:s23] =	ssyncset.done $0x0  }
0x39: {  	s16 =	simm.s32 $0x680;
	[sflag:s23] =	ssyncadd.s32 $0xFFFFE000  }
0x3a: {  	v0 =	vld [tilespmem:s16+$0x0]  }
0x3b: {  	v1 =	vld [tilespmem:s16+$0x10]  }
0x3c: {  	v2 =	vld [tilespmem:s16+$0x20]  }
0x3d: {  	v3 =	vld [tilespmem:s16+$0x30]  }
0x3e: {  	v4 =	vld [tilespmem:s16+$0x40]  }
0x3f: {  	v5 =	vld [tilespmem:s16+$0x50]  }
0x40: {  	v6 =	vld [tilespmem:s16+$0x60]  }
0x41: {  	s0 =	simm.s32 $0x2680;
	v7 =	vld [tilespmem:s16+$0x70]  }
0x42: {  	v8 =	vld [tilespmem:s0+$0x0]  }
0x43: {  	v9 =	vld [tilespmem:s0+$0x10]  }
0x44: {  	v10 =	vld [tilespmem:s0+$0x20]  }
0x45: {  	v11 =	vld [tilespmem:s0+$0x30]  }
0x46: {  	v12 =	vld [tilespmem:s0+$0x40]  }
0x47: {  	v13 =	vld [tilespmem:s0+$0x50]  }
0x48: {  	v14 =	vld [tilespmem:s0+$0x60]  }
0x49: {  	s3 =	simm.s32 $0x4680;
	v15 =	vld [tilespmem:s0+$0x70]  }
0x4a: {  	v16 =	vld [tilespmem:s3+$0x0]  }
0x4b: {  	v17 =	vld [tilespmem:s3+$0x10]  }
0x4c: {  	v18 =	vld [tilespmem:s3+$0x20]  }
0x4d: {  	v19 =	vld [tilespmem:s3+$0x30]  }
0x4e: {  	v20 =	vld [tilespmem:s3+$0x40];
	v8 =	vmul.f32 v8, v0;
	v9 =	vmul.f32 v9, v1  }
0x4f: {  	v21 =	vld [tilespmem:s3+$0x50];
	v10 =	vmul.f32 v10, v2;
	v11 =	vmul.f32 v11, v3  }
0x50: {  	v22 =	vld [tilespmem:s3+$0x60];
	v12 =	vmul.f32 v12, v4;
	v13 =	vmul.f32 v13, v5  }
0x51: {  	v23 =	vld [tilespmem:s3+$0x70];
	v14 =	vmul.f32 v14, v6;
	v15 =	vmul.f32 v15, v7  }
0x52: {  	v24 =	vld [tilespmem:s16+$0xFFFFFFA0];
	v0 =	vmul.f32 v16, v0;
	v17 =	vmul.f32 v17, v1  }
0x53: {  	v61 =	vld [tilespmem:s16+$0xFFFFFFB0];
	v18 =	vmul.f32 v18, v2;
	v3 =	vmul.f32 v19, v3  }
0x54: {  	v16 =	vld [tilespmem:s16+$0xFFFFFF90];
	v19 =	vmul.f32 v20, v4;
	v5 =	vmul.f32 v21, v5  }
0x55: {  	v1 =	vld [tilespmem:s16+$0xFFFFFFC0];
	v6 =	vmul.f32 v22, v6;
	v8 =	vadd.f32 v9, v8;
	v9 =	vadd.f32 v11, v10  }
0x56: {  	v2 =	vld [tilespmem:s16+$0xFFFFFFD0];
	v7 =	vmul.f32 v23, v7;
	v10 =	vadd.f32 v13, v12;
	v11 =	vadd.f32 v15, v14  }
0x57: {  	v4 =	vld [tilespmem:s16+$0xFFFFFFF0];
	v0 =	vadd.f32 v17, v0;
	v12 =	vadd.f32 v3, v18  }
0x58: {  	v3 =	vld [tilespmem:s16+$0xFFFFFFE0];
	v13 =	vadd.f32 v5, v19;
	v6 =	vadd.f32 v7, v6  }
0x59: {  	v5 =	vld [tilespmem:s0+$0xFFFFFF80];
	v7 =	vadd.f32 v9, v8;
	v8 =	vadd.f32 v11, v10  }
0x5a: {  	v14 =	vld [tilespmem:s3+$0xFFFFFF90];
	v0 =	vadd.f32 v12, v0;
	v6 =	vadd.f32 v6, v13  }
0x5b: {  	v10 =	vld [tilespmem:s0+$0xFFFFFFB0];
	v7 =	vadd.f32 v8, v7  }
0x5c: {  	v11 =	vld [tilespmem:s0+$0xFFFFFFD0];
	v0 =	vadd.f32 v6, v0  }
0x5d: {  	v12 =	vld [tilespmem:s0+$0xFFFFFFF0];
	(xrf2) =	vadd.scan.msk.f32 $0xffff, v7  }
0x5e: {  	v8 =	vld [tilespmem:s0+$0xFFFFFFA0];
	(xrf2) =	vadd.scan.msk.f32 $0xffff, v0  }
0x5f: {  	v7 =	vld [tilespmem:s0+$0xFFFFFFC0]  }
0x60: {  	v0 =	vld [tilespmem:s0+$0xFFFFFFE0]  }
0x61: {  	s15 =	sadd.s32 $0xFFFFFFFE, s29;
	v9 =	vld [tilespmem:s0+$0xFFFFFF90]  }
0x62: {  	s17 =	sadd.s32 $0x3, s15;
	v15 =	vld [tilespmem:s3+$0xFFFFFFA0]  }
0x63: {  	v18 =	vmov s17;
	v19 =	vld [tilespmem:s3+$0xFFFFFFB0];
	v10 =	vmul.f32 v10, v61;
	v17 =	vmul.f32 v11, v2  }
0x64: {  	v6 =	vld [tilespmem:s3+$0xFFFFFF80];
	v62 =	vmul.f32 v12, v4;
	v8 =	vmul.f32 v8, v24  }
0x65: {  	v11 =	vld [tilespmem:s3+$0xFFFFFFC0];
	v13 =	vmul.f32 v7, v1;
	v0 =	vmul.f32 v0, v3  }
0x66: {  	s15 =	sadd.s32 $0x2, s15;
	v12 =	vld [tilespmem:s3+$0xFFFFFFD0];
	v7 =	vmul.f32 v9, v16;
	v8 =	vadd.f32 v10, v8  }
0x67: {  	v9 =	vmov s15;
	v10 =	vadd.f32 v17, v13;
	v13 =	vld [tilespmem:s3+$0xFFFFFFE0];
	v21 =	vadd.f32 v62, v0;
	v17, _, _ =	vpop (xrf2)  }
0x68: {  	v0 =	vand.u32 $0xFFFFFFFE, v9;
	v9 =	vmul.f32 v14, v16;
	v14 =	vld [tilespmem:s3+$0xFFFFFFF0];
	v16 =	vmul.f32 v15, v24;
	[tilespmem:v18+s24+$0x0] =	vst.idx.msk vm0, v17;
	v63, _, _ =	vpop (xrf2)  }
0x69: {  	s31 =	sshll.u32 s30, $0x7;
	s15 =	simm.s32 $0x0;
	v15 =	vld [tilespmem:s16+$0xFFFFFF80];
	s16 =	simm.s32 $0x780;
	v0 =	vbroadcast v0, $0x0;
	v10 =	vadd.f32 v21, v10;
	v17 =	vmul.f32 v19, v61;
	[tilespmem:v18+s25+$0x0] =	vst.idx.msk vm0, v63  }
.LBB2_3:
0x6a: {  	v18 =	vld [tilespmem:s16+$0x0];
	v1 =	vmul.f32 v11, v1;
	s17 =	smov.u32 s15  }
0x6b: {  	v11 =	vld [tilespmem:s16+$0x10];
	v2 =	vmul.f32 v12, v2;
	v12 =	vadd.f32 v17, v16  }
0x6c: {  	v16 =	vld [tilespmem:s16+$0x20];
	v3 =	vmul.f32 v13, v3  }
0x6d: {  	v13 =	vld [tilespmem:s16+$0x30];
	v4 =	vmul.f32 v14, v4;
	v1 =	vadd.f32 v2, v1  }
0x6e: {  	v2 =	vld [tilespmem:s16+$0x40];
	v5 =	vmul.f32 v5, v15;
	v6 =	vmul.f32 v6, v15  }
0x6f: {  	v14 =	vld [tilespmem:s16+$0x50];
	v3 =	vadd.f32 v4, v3  }
0x70: {  	v4 =	vld [tilespmem:s16+$0x60];
	v5 =	vadd.f32 v7, v5;
	v6 =	vadd.f32 v9, v6  }
0x71: {  	s0 =	sadd.s32 $0x100, s0;
	v7 =	vld [tilespmem:s16+$0x70];
	v1 =	vadd.f32 v3, v1  }
0x72: {  	v3 =	vld [tilespmem:s0+$0x0];
	v5 =	vadd.f32 v8, v5;
	v6 =	vadd.f32 v12, v6  }
0x73: {  	v8 =	vld [tilespmem:s0+$0x10]  }
0x74: {  	v9 =	vld [tilespmem:s0+$0x20];
	v5 =	vadd.f32 v10, v5;
	v1 =	vadd.f32 v1, v6  }
0x75: {  	v6 =	vld [tilespmem:s0+$0x30]  }
0x76: {  	v10 =	vld [tilespmem:s0+$0x40];
	(xrf2) =	vadd.scan.msk.f32 $0xffff, v5  }
0x77: {  	v5 =	vld [tilespmem:s0+$0x50]  }
0x78: {  	v12 =	vld [tilespmem:s0+$0x60]  }
0x79: {  	s3 =	sadd.s32 $0x100, s3;
	v15 =	vld [tilespmem:s0+$0x70];
	(xrf2) =	vadd.scan.msk.f32 $0xffff, v1  }
0x7a: {  	v1 =	vld [tilespmem:s3+$0x0]  }
0x7b: {  	v17 =	vld [tilespmem:s3+$0x10]  }
0x7c: {  	v19 =	vld [tilespmem:s3+$0x20]  }
0x7d: {  	v3 =	vmul.f32 v3, v18;
	v20 =	vld [tilespmem:s3+$0x30]  }
0x7e: {  	v8 =	vmul.f32 v8, v11;
	v9 =	vmul.f32 v9, v16;
	v21 =	vld [tilespmem:s3+$0x40]  }
0x7f: {  	v6 =	vmul.f32 v6, v13;
	v10 =	vmul.f32 v10, v2;
	v22 =	vld [tilespmem:s3+$0x50]  }
0x80: {  	v5 =	vmul.f32 v5, v14;
	v12 =	vmul.f32 v12, v4;
	v23 =	vld [tilespmem:s3+$0x60];
	v24, _, _ =	vpop (xrf2)  }
0x81: {  	s15 =	sadd.s32 $0x2, s15;
	v15 =	vmul.f32 v15, v7;
	v18 =	vmul.f32 v1, v18;
	v25 =	vld [tilespmem:s3+$0x70];
	[tilespmem:v0+s24+$0x0] =	vst.idx.msk vm0, v24  }
0x82: {  	p0 =	slt.u32 s15, $0x3E;
	v11 =	vmul.f32 v17, v11;
	v16 =	vmul.f32 v19, v16;
	v24 =	vld [tilespmem:s16+$0xFFFFFF90]  }
0x83: {  	v13 =	vmul.f32 v20, v13;
	v17 =	vld [tilespmem:s16+$0xFFFFFFA0];
	v19 =	vmul.f32 v21, v2;
	v20, _, _ =	vpop (xrf2)  }
0x84: {  	v8 =	vadd.f32 v8, v3;
	v6 =	vadd.f32 v6, v9;
	v21 =	vld [tilespmem:s16+$0xFFFFFFB0];
	v14 =	vmul.f32 v22, v14  }
0x85: {  	v1 =	vld [tilespmem:s16+$0xFFFFFFC0];
	v9 =	vmul.f32 v23, v4;
	v4 =	vadd.f32 v5, v10;
	v5 =	vadd.f32 v15, v12  }
0x86: {  	v10 =	vadd.f32 v11, v18;
	v11 =	vadd.f32 v13, v16;
	v2 =	vld [tilespmem:s16+$0xFFFFFFD0];
	v7 =	vmul.f32 v25, v7  }
0x87: {  	v6 =	vadd.f32 v6, v8;
	v3 =	vld [tilespmem:s16+$0xFFFFFFE0];
	v8 =	vadd.f32 v5, v4;
	[tilespmem:v0+s25+$0x0] =	vst.idx.msk vm0, v20  }
0x88: {  	v0 =	vadd.f32 v14, v19;
	v4 =	vld [tilespmem:s16+$0xFFFFFFF0];
	v7 =	vadd.f32 v7, v9  }
0x89: {  	v5 =	vld [tilespmem:s0+$0xFFFFFF80];
	v6 =	vadd.f32 v8, v6  }
0x8a: {  	v9 =	vadd.f32 v11, v10;
	v8 =	vld [tilespmem:s0+$0xFFFFFF90];
	v0 =	vadd.f32 v7, v0  }
0x8b: {  	v10 =	vld [tilespmem:s0+$0xFFFFFFA0];
	(xrf2) =	vadd.scan.msk.f32 $0xffff, v6  }
0x8c: {  	v11 =	vld [tilespmem:s0+$0xFFFFFFB0];
	v0 =	vadd.f32 v0, v9  }
0x8d: {  	v9 =	vld [tilespmem:s0+$0xFFFFFFC0]  }
0x8e: {  	v12 =	vld [tilespmem:s0+$0xFFFFFFD0];
	(xrf2) =	vadd.scan.msk.f32 $0xffff, v0  }
0x8f: {  	v0 =	vld [tilespmem:s0+$0xFFFFFFE0];
	v7 =	vmul.f32 v8, v24  }
0x90: {  	v13 =	vld [tilespmem:s0+$0xFFFFFFF0];
	v8 =	vmul.f32 v10, v17  }
0x91: {  	s17 =	sadd.s32 s17, s29;
	v6 =	vld [tilespmem:s3+$0xFFFFFF80];
	v10 =	vmul.f32 v11, v21  }
0x92: {  	s19 =	sadd.s32 $0x2, s17;
	s17 =	sadd.s32 $0x3, s17;
	v14 =	vld [tilespmem:s3+$0xFFFFFF90];
	v9 =	vmul.f32 v9, v1  }
0x93: {  	v18 =	vmov s17;
	v15 =	vld [tilespmem:s3+$0xFFFFFFA0];
	v12 =	vmul.f32 v12, v2;
	v8 =	vadd.f32 v10, v8  }
0x94: {  	v10 =	vld [tilespmem:s3+$0xFFFFFFB0];
	v16 =	vmul.f32 v0, v3;
	v0 =	vmov s19  }
.Ltmp2:
0x95: {  	v11 =	vld [tilespmem:s3+$0xFFFFFFC0];
	v19 =	vmul.f32 v13, v4;
	v20 =	vadd.f32 v12, v9;
	v0 =	vand.u32 $0xFFFFFFFE, v0;
	v22, _, _ =	vpop (xrf2);
	(pc) =	sbr.rel @p0 .LBB2_3-.Ltmp2, $4  }
0x96: {  	v12 =	vld [tilespmem:s3+$0xFFFFFFD0];
	v0 =	vbroadcast v0, $0x0  }
0x97: {  	v13 =	vld [tilespmem:s3+$0xFFFFFFE0];
	v9 =	vmul.f32 v14, v24;
	v19 =	vadd.f32 v19, v16  }
0x98: {  	v14 =	vld [tilespmem:s3+$0xFFFFFFF0];
	v16 =	vmul.f32 v15, v17;
	[tilespmem:v18+s24+$0x0] =	vst.idx.msk vm0, v22;
	v22, _, _ =	vpop (xrf2)  }
0x99: {  	v15 =	vld [tilespmem:s16+$0xFFFFFF80];
	v17 =	vmul.f32 v10, v21;
	v10 =	vadd.f32 v19, v20;
	[tilespmem:v18+s25+$0x0] =	vst.idx.msk vm0, v22;
	s16 =	sadd.s32 $0x100, s16  }
0x9a: {  	_ =	sdelay $0x2  }
0x9b: {  	v1 =	vmul.f32 v11, v1;
	v2 =	vmul.f32 v12, v2  }
0x9c: {  	v3 =	vmul.f32 v13, v3;
	v5 =	vmul.f32 v5, v15  }
0x9d: {  	v11 =	vadd.f32 v17, v16;
	v4 =	vmul.f32 v14, v4;
	v6 =	vmul.f32 v6, v15  }
0x9e: {  	v1 =	vadd.f32 v2, v1;
	v2 =	vadd.f32 v7, v5  }
0x9f: {  	v3 =	vadd.f32 v4, v3;
	v4 =	vadd.f32 v9, v6  }
0xa0: {  	v2 =	vadd.f32 v8, v2  }
0xa1: {  	v1 =	vadd.f32 v3, v1;
	v3 =	vadd.f32 v11, v4  }
0xa2: {  	v2 =	vadd.f32 v10, v2  }
0xa3: {  	v1 =	vadd.f32 v1, v3  }
0xa4: {  	(xrf2) =	vadd.scan.msk.f32 $0xffff, v2  }
0xa5: {  	(xrf2) =	vadd.scan.msk.f32 $0xffff, v1;
	_ =	sdelay $0x8  }
0xa6: {  	v1, _, _ =	vpop (xrf2)  }
0xa7: {  	p0 =	seq.s32 s30, $0x3;
	[tilespmem:v0+s24+$0x0] =	vst.idx.msk vm0, v1;
	v1, _, _ =	vpop (xrf2)  }
0xa8: {  	s0 =	sadd.s32 @!p0 $0x80, s31;
	s3 =	simm.s32 @!p0 $0x40;
	s15 =	simm.s32 @!p0 $0x600;
	[tilespmem:v0+s25+$0x0] =	vst.idx.msk vm0, v1  }
0xa9: {  	[tilespmem:s15], [sflag:$0x1] =	stream.indirect.gather @!p0 [hbm4b:s1+s3], $0x80, s0, s3, $0xb8;
	[tilespmem:$0xCA00] =	vst v63  }
0xaa: {  	s0 =	sadd.s32 @!p0 $0x280, s31;
	s15 =	simm.s32 @!p0 $0x2600  }
0xab: {  	[tilespmem:s15], [sflag:$0x1] =	stream.indirect.gather @!p0 [hbm4b:s2+s3], $0x80, s0, s3, $0xb8;
	[tilespmem:$0xCA00] =	vst v63  }
0xac: {  	s0 =	sadd.s32 @!p0 $0x480, s31;
	s15 =	simm.s32 @!p0 $0x4600  }
0xad: {  	[tilespmem:s15], [sflag:$0x1] =	stream.indirect.gather @!p0 [hbm4b:s2+s3], $0x80, s0, s3, $0xb8;
	[tilespmem:$0xCA00] =	vst v63  }
0xae: {  	_ =	swait.ge [sflag:s26], $0x2000  }
0xaf: {  	[sflag:s26] =	ssyncset.done $0x0  }
0xb0: {  	[sflag:s26] =	ssyncadd.s32 $0xFFFFE000  }
0xb1: {  	_ =	swait.ge [sflag:s26], $0x2000  }
0xb2: {  	[sflag:s26] =	ssyncset.done $0x0  }
0xb3: {  	[sflag:s26] =	ssyncadd.s32 $0xFFFFE000  }
0xb4: {  	_ =	swait.ge [sflag:s26], $0x2000  }
0xb5: {  	[sflag:s26] =	ssyncset.done $0x0  }
0xb6: {  	s16 =	simm.s32 $0x6680;
	[sflag:s26] =	ssyncadd.s32 $0xFFFFE000  }
0xb7: {  	v0 =	vld [tilespmem:s16+$0x0]  }
0xb8: {  	v1 =	vld [tilespmem:s16+$0x10]  }
0xb9: {  	v2 =	vld [tilespmem:s16+$0x20]  }
0xba: {  	v3 =	vld [tilespmem:s16+$0x30]  }
0xbb: {  	v4 =	vld [tilespmem:s16+$0x40]  }
0xbc: {  	v5 =	vld [tilespmem:s16+$0x50]  }
0xbd: {  	v6 =	vld [tilespmem:s16+$0x60]  }
0xbe: {  	s0 =	simm.s32 $0x8680;
	v7 =	vld [tilespmem:s16+$0x70]  }
0xbf: {  	v8 =	vld [tilespmem:s0+$0x0]  }
0xc0: {  	v9 =	vld [tilespmem:s0+$0x10]  }
0xc1: {  	v10 =	vld [tilespmem:s0+$0x20]  }
0xc2: {  	v11 =	vld [tilespmem:s0+$0x30]  }
0xc3: {  	v12 =	vld [tilespmem:s0+$0x40]  }
0xc4: {  	v13 =	vld [tilespmem:s0+$0x50]  }
0xc5: {  	v14 =	vld [tilespmem:s0+$0x60]  }
0xc6: {  	s3 =	simm.s32 $0xA680;
	v15 =	vld [tilespmem:s0+$0x70]  }
0xc7: {  	v16 =	vld [tilespmem:s3+$0x0]  }
0xc8: {  	v17 =	vld [tilespmem:s3+$0x10]  }
0xc9: {  	v18 =	vld [tilespmem:s3+$0x20]  }
0xca: {  	v19 =	vld [tilespmem:s3+$0x30]  }
0xcb: {  	v20 =	vld [tilespmem:s3+$0x40];
	v8 =	vmul.f32 v8, v0;
	v9 =	vmul.f32 v9, v1  }
0xcc: {  	v21 =	vld [tilespmem:s3+$0x50];
	v10 =	vmul.f32 v10, v2;
	v11 =	vmul.f32 v11, v3  }
0xcd: {  	v22 =	vld [tilespmem:s3+$0x60];
	v12 =	vmul.f32 v12, v4;
	v13 =	vmul.f32 v13, v5  }
0xce: {  	v23 =	vld [tilespmem:s3+$0x70];
	v14 =	vmul.f32 v14, v6;
	v15 =	vmul.f32 v15, v7  }
0xcf: {  	v24 =	vld [tilespmem:s16+$0xFFFFFFA0];
	v0 =	vmul.f32 v16, v0;
	v17 =	vmul.f32 v17, v1  }
0xd0: {  	v61 =	vld [tilespmem:s16+$0xFFFFFFB0];
	v18 =	vmul.f32 v18, v2;
	v3 =	vmul.f32 v19, v3  }
0xd1: {  	v16 =	vld [tilespmem:s16+$0xFFFFFF90];
	v19 =	vmul.f32 v20, v4;
	v5 =	vmul.f32 v21, v5  }
0xd2: {  	v1 =	vld [tilespmem:s16+$0xFFFFFFC0];
	v6 =	vmul.f32 v22, v6;
	v8 =	vadd.f32 v9, v8;
	v9 =	vadd.f32 v11, v10  }
0xd3: {  	v2 =	vld [tilespmem:s16+$0xFFFFFFD0];
	v7 =	vmul.f32 v23, v7;
	v10 =	vadd.f32 v13, v12;
	v11 =	vadd.f32 v15, v14  }
0xd4: {  	v4 =	vld [tilespmem:s16+$0xFFFFFFF0];
	v0 =	vadd.f32 v17, v0;
	v12 =	vadd.f32 v3, v18  }
0xd5: {  	v3 =	vld [tilespmem:s16+$0xFFFFFFE0];
	v13 =	vadd.f32 v5, v19;
	v6 =	vadd.f32 v7, v6  }
0xd6: {  	v5 =	vld [tilespmem:s0+$0xFFFFFF80];
	v7 =	vadd.f32 v9, v8;
	v8 =	vadd.f32 v11, v10  }
0xd7: {  	v14 =	vld [tilespmem:s3+$0xFFFFFF90];
	v0 =	vadd.f32 v12, v0;
	v6 =	vadd.f32 v6, v13  }
0xd8: {  	v10 =	vld [tilespmem:s0+$0xFFFFFFB0];
	v7 =	vadd.f32 v8, v7  }
0xd9: {  	v11 =	vld [tilespmem:s0+$0xFFFFFFD0];
	v0 =	vadd.f32 v6, v0  }
0xda: {  	v12 =	vld [tilespmem:s0+$0xFFFFFFF0];
	(xrf2) =	vadd.scan.msk.f32 $0xffff, v7  }
0xdb: {  	v8 =	vld [tilespmem:s0+$0xFFFFFFA0];
	(xrf2) =	vadd.scan.msk.f32 $0xffff, v0  }
0xdc: {  	v7 =	vld [tilespmem:s0+$0xFFFFFFC0]  }
0xdd: {  	v0 =	vld [tilespmem:s0+$0xFFFFFFE0]  }
0xde: {  	s19 =	sadd.s32 $0xFFFFFFFE, s29;
	v9 =	vld [tilespmem:s0+$0xFFFFFF90]  }
0xdf: {  	s17 =	sadd.s32 $0x43, s19;
	v15 =	vld [tilespmem:s3+$0xFFFFFFA0]  }
0xe0: {  	v18 =	vmov s17;
	v19 =	vld [tilespmem:s3+$0xFFFFFFB0];
	v10 =	vmul.f32 v10, v61;
	v17 =	vmul.f32 v11, v2  }
0xe1: {  	v6 =	vld [tilespmem:s3+$0xFFFFFF80];
	v62 =	vmul.f32 v12, v4;
	v8 =	vmul.f32 v8, v24  }
0xe2: {  	v11 =	vld [tilespmem:s3+$0xFFFFFFC0];
	v13 =	vmul.f32 v7, v1;
	v0 =	vmul.f32 v0, v3  }
0xe3: {  	s15 =	sadd.s32 $0x42, s19;
	v12 =	vld [tilespmem:s3+$0xFFFFFFD0];
	v7 =	vmul.f32 v9, v16;
	v8 =	vadd.f32 v10, v8  }
0xe4: {  	v9 =	vmov s15;
	v10 =	vadd.f32 v17, v13;
	v13 =	vld [tilespmem:s3+$0xFFFFFFE0];
	v21 =	vadd.f32 v62, v0;
	v17, _, _ =	vpop (xrf2)  }
0xe5: {  	v0 =	vand.u32 $0xFFFFFFFE, v9;
	v9 =	vmul.f32 v14, v16;
	v14 =	vld [tilespmem:s3+$0xFFFFFFF0];
	v16 =	vmul.f32 v15, v24;
	[tilespmem:v18+s24+$0x0] =	vst.idx.msk vm0, v17;
	v63, _, _ =	vpop (xrf2)  }
0xe6: {  	s15 =	simm.s32 $0x0;
	v15 =	vld [tilespmem:s16+$0xFFFFFF80];
	s16 =	simm.s32 $0x6780;
	v0 =	vbroadcast v0, $0x0;
	v10 =	vadd.f32 v21, v10;
	v17 =	vmul.f32 v19, v61;
	[tilespmem:v18+s25+$0x0] =	vst.idx.msk vm0, v63  }
.LBB2_5:
0xe7: {  	v18 =	vld [tilespmem:s16+$0x0];
	v1 =	vmul.f32 v11, v1;
	s17 =	smov.u32 s15  }
0xe8: {  	v11 =	vld [tilespmem:s16+$0x10];
	v2 =	vmul.f32 v12, v2;
	v12 =	vadd.f32 v17, v16  }
0xe9: {  	v16 =	vld [tilespmem:s16+$0x20];
	v3 =	vmul.f32 v13, v3  }
0xea: {  	v13 =	vld [tilespmem:s16+$0x30];
	v4 =	vmul.f32 v14, v4;
	v1 =	vadd.f32 v2, v1  }
0xeb: {  	v2 =	vld [tilespmem:s16+$0x40];
	v5 =	vmul.f32 v5, v15;
	v6 =	vmul.f32 v6, v15  }
0xec: {  	v14 =	vld [tilespmem:s16+$0x50];
	v3 =	vadd.f32 v4, v3  }
0xed: {  	v4 =	vld [tilespmem:s16+$0x60];
	v5 =	vadd.f32 v7, v5;
	v6 =	vadd.f32 v9, v6  }
0xee: {  	s0 =	sadd.s32 $0x100, s0;
	v7 =	vld [tilespmem:s16+$0x70];
	v1 =	vadd.f32 v3, v1  }
0xef: {  	v3 =	vld [tilespmem:s0+$0x0];
	v5 =	vadd.f32 v8, v5;
	v6 =	vadd.f32 v12, v6  }
0xf0: {  	v8 =	vld [tilespmem:s0+$0x10]  }
0xf1: {  	v9 =	vld [tilespmem:s0+$0x20];
	v5 =	vadd.f32 v10, v5;
	v1 =	vadd.f32 v1, v6  }
0xf2: {  	v6 =	vld [tilespmem:s0+$0x30]  }
0xf3: {  	v10 =	vld [tilespmem:s0+$0x40];
	(xrf2) =	vadd.scan.msk.f32 $0xffff, v5  }
0xf4: {  	v5 =	vld [tilespmem:s0+$0x50]  }
0xf5: {  	v12 =	vld [tilespmem:s0+$0x60]  }
0xf6: {  	s3 =	sadd.s32 $0x100, s3;
	v15 =	vld [tilespmem:s0+$0x70];
	(xrf2) =	vadd.scan.msk.f32 $0xffff, v1  }
0xf7: {  	v1 =	vld [tilespmem:s3+$0x0]  }
0xf8: {  	v17 =	vld [tilespmem:s3+$0x10]  }
0xf9: {  	v19 =	vld [tilespmem:s3+$0x20]  }
0xfa: {  	v3 =	vmul.f32 v3, v18;
	v20 =	vld [tilespmem:s3+$0x30]  }
0xfb: {  	v8 =	vmul.f32 v8, v11;
	v9 =	vmul.f32 v9, v16;
	v21 =	vld [tilespmem:s3+$0x40]  }
0xfc: {  	v6 =	vmul.f32 v6, v13;
	v10 =	vmul.f32 v10, v2;
	v22 =	vld [tilespmem:s3+$0x50]  }
0xfd: {  	v5 =	vmul.f32 v5, v14;
	v12 =	vmul.f32 v12, v4;
	v23 =	vld [tilespmem:s3+$0x60];
	v24, _, _ =	vpop (xrf2)  }
0xfe: {  	s15 =	sadd.s32 $0x2, s15;
	v15 =	vmul.f32 v15, v7;
	v18 =	vmul.f32 v1, v18;
	v25 =	vld [tilespmem:s3+$0x70];
	[tilespmem:v0+s24+$0x0] =	vst.idx.msk vm0, v24  }
0xff: {  	p1 =	slt.u32 s15, $0x3E;
	v11 =	vmul.f32 v17, v11;
	v16 =	vmul.f32 v19, v16;
	v24 =	vld [tilespmem:s16+$0xFFFFFF90]  }
0x100: {  	v13 =	vmul.f32 v20, v13;
	v17 =	vld [tilespmem:s16+$0xFFFFFFA0];
	v19 =	vmul.f32 v21, v2;
	v20, _, _ =	vpop (xrf2)  }
0x101: {  	v8 =	vadd.f32 v8, v3;
	v6 =	vadd.f32 v6, v9;
	v21 =	vld [tilespmem:s16+$0xFFFFFFB0];
	v14 =	vmul.f32 v22, v14  }
0x102: {  	v1 =	vld [tilespmem:s16+$0xFFFFFFC0];
	v9 =	vmul.f32 v23, v4;
	v4 =	vadd.f32 v5, v10;
	v5 =	vadd.f32 v15, v12  }
0x103: {  	v10 =	vadd.f32 v11, v18;
	v11 =	vadd.f32 v13, v16;
	v2 =	vld [tilespmem:s16+$0xFFFFFFD0];
	v7 =	vmul.f32 v25, v7  }
0x104: {  	v6 =	vadd.f32 v6, v8;
	v3 =	vld [tilespmem:s16+$0xFFFFFFE0];
	v8 =	vadd.f32 v5, v4;
	[tilespmem:v0+s25+$0x0] =	vst.idx.msk vm0, v20  }
0x105: {  	v0 =	vadd.f32 v14, v19;
	v4 =	vld [tilespmem:s16+$0xFFFFFFF0];
	v7 =	vadd.f32 v7, v9  }
0x106: {  	v5 =	vld [tilespmem:s0+$0xFFFFFF80];
	v6 =	vadd.f32 v8, v6  }
0x107: {  	v9 =	vadd.f32 v11, v10;
	v8 =	vld [tilespmem:s0+$0xFFFFFF90];
	v0 =	vadd.f32 v7, v0  }
0x108: {  	v10 =	vld [tilespmem:s0+$0xFFFFFFA0];
	(xrf2) =	vadd.scan.msk.f32 $0xffff, v6  }
0x109: {  	v11 =	vld [tilespmem:s0+$0xFFFFFFB0];
	v0 =	vadd.f32 v0, v9  }
0x10a: {  	v9 =	vld [tilespmem:s0+$0xFFFFFFC0]  }
0x10b: {  	v12 =	vld [tilespmem:s0+$0xFFFFFFD0];
	(xrf2) =	vadd.scan.msk.f32 $0xffff, v0  }
0x10c: {  	v0 =	vld [tilespmem:s0+$0xFFFFFFE0];
	v7 =	vmul.f32 v8, v24  }
0x10d: {  	v13 =	vld [tilespmem:s0+$0xFFFFFFF0];
	v8 =	vmul.f32 v10, v17  }
0x10e: {  	s17 =	sadd.s32 s17, s29;
	v6 =	vld [tilespmem:s3+$0xFFFFFF80];
	v10 =	vmul.f32 v11, v21  }
0x10f: {  	s19 =	sadd.s32 $0x42, s17;
	s17 =	sadd.s32 $0x43, s17;
	v14 =	vld [tilespmem:s3+$0xFFFFFF90];
	v9 =	vmul.f32 v9, v1  }
0x110: {  	v18 =	vmov s17;
	v15 =	vld [tilespmem:s3+$0xFFFFFFA0];
	v12 =	vmul.f32 v12, v2;
	v8 =	vadd.f32 v10, v8  }
0x111: {  	v10 =	vld [tilespmem:s3+$0xFFFFFFB0];
	v16 =	vmul.f32 v0, v3;
	v0 =	vmov s19  }
.Ltmp3:
0x112: {  	v11 =	vld [tilespmem:s3+$0xFFFFFFC0];
	v19 =	vmul.f32 v13, v4;
	v20 =	vadd.f32 v12, v9;
	v0 =	vand.u32 $0xFFFFFFFE, v0;
	v22, _, _ =	vpop (xrf2);
	(pc) =	sbr.rel @p1 .LBB2_5-.Ltmp3, $4  }
0x113: {  	v12 =	vld [tilespmem:s3+$0xFFFFFFD0];
	v0 =	vbroadcast v0, $0x0  }
0x114: {  	v13 =	vld [tilespmem:s3+$0xFFFFFFE0];
	v9 =	vmul.f32 v14, v24;
	v19 =	vadd.f32 v19, v16  }
0x115: {  	v14 =	vld [tilespmem:s3+$0xFFFFFFF0];
	v16 =	vmul.f32 v15, v17;
	[tilespmem:v18+s24+$0x0] =	vst.idx.msk vm0, v22;
	v22, _, _ =	vpop (xrf2)  }
0x116: {  	v15 =	vld [tilespmem:s16+$0xFFFFFF80];
	v17 =	vmul.f32 v10, v21;
	v10 =	vadd.f32 v19, v20;
	[tilespmem:v18+s25+$0x0] =	vst.idx.msk vm0, v22;
	s16 =	sadd.s32 $0x100, s16  }
0x117: {  	_ =	sdelay $0x2  }
0x118: {  	v1 =	vmul.f32 v11, v1;
	v2 =	vmul.f32 v12, v2  }
0x119: {  	v3 =	vmul.f32 v13, v3;
	v5 =	vmul.f32 v5, v15  }
0x11a: {  	v58 =	vadd.f32 v17, v16;
	v4 =	vmul.f32 v14, v4;
	v6 =	vmul.f32 v6, v15  }
0x11b: {  	v1 =	vadd.f32 v2, v1;
	v59 =	vadd.f32 v7, v5  }
0x11c: {  	v3 =	vadd.f32 v4, v3;
	v60 =	vadd.f32 v9, v6  }
0x11d: {  	v2 =	vadd.f32 v8, v59  }
0x11e: {  	v1 =	vadd.f32 v3, v1;
	v61 =	vadd.f32 v58, v60  }
0x11f: {  	v2 =	vadd.f32 v10, v2  }
0x120: {  	v1 =	vadd.f32 v1, v61  }
0x121: {  	(xrf2) =	vadd.scan.msk.f32 $0xffff, v2  }
0x122: {  	(xrf2) =	vadd.scan.msk.f32 $0xffff, v1;
	_ =	sdelay $0x6  }
.Ltmp4:
0x123: {  	_ = 	snop;
	(pc) =	sbr.rel @p0 .LBB2_8-.Ltmp4, $4  }
0x124: {  	_ = 	snop  }
0x125: {  	v62, _, _ =	vpop (xrf2)  }
0x126: {  	[tilespmem:v0+s24+$0x0] =	vst.idx.msk vm0, v62;
	v63, _, _ =	vpop (xrf2)  }
0x127: {  	[tilespmem:v0+s25+$0x0] =	vst.idx.msk vm0, v63  }
0x128: {  	s0 =	sadd.s32 $0xC0, s31  }
0x129: {  	[tilespmem:s18], [sflag:$0x2] =	stream.indirect.gather [hbm4b:s1+s14], $0x80, s0, s14, $0xb8;
	[tilespmem:$0xCA00] =	vst v63  }
.Ltmp5:
0x12a: {  	_ = 	snop;
	(pc) =	sbr.rel .LBB2_2-.Ltmp5, $4  }
0x12b: {  	s19 =	sadd.s32 $0x2C0, s31  }
0x12c: {  	[tilespmem:s20], [sflag:$0x2] =	stream.indirect.gather [hbm4b:s2+s14], $0x80, s19, s14, $0xb8;
	[tilespmem:$0xCA00] =	vst v63  }
0x12d: {  	s31 =	sadd.s32 $0x4C0, s31;
	s30 =	sadd.s32 $0x1, s30;
	s29 =	sadd.s32 $0x80, s29  }
0x12e: {  	[tilespmem:s22], [sflag:$0x2] =	stream.indirect.gather [hbm4b:s2+s14], $0x80, s31, s14, $0xb8;
	[tilespmem:$0xCA00] =	vst v63  }
.LBB2_9:
0x12f: {  	_ =	sfence.sel $0x180000  }
0x130: {  	[bflag:$0x0] =	sbarrier.arrive $0xFFFF  }
0x131: {  	_ =	strace $0x90000047  }
0x132: {  	s0 =	stileid.u32;
	[bflag:$0x2] =	sbarrier.arrive $0xFFFF  }
0x133: {  	p0 =	sne.s32 s0, $0x0;
	s0 =	rddreg [dreg:$0x7]  }
0x134: {  	s0 =	sadd.s32 @!p0 $0x100000, s0  }
0x135: {  	[sflag:s0] =	ssyncadd.tile.s32 @!p0 $0x1;
	_ =	shalt  }
.Lfunc_end2:
_tile_overlayer_lowered:
.L_overlay_start_2:
0x136: {  	(tag) =	ssettag $0x2  }
0x137: {  	s0 =	rddreg [dreg:$0x0];
	s2 =	stileid.u32  }
0x138: {  	s1 =	rddreg [dreg:$0x1];
	p0 =	sne.s32 s2, $0x0  }
0x139: {  	s3 =	rddreg [dreg:$0x2];
	[bflag:$0x3] =	sbarrier.arrive $0xFFFF;
	s2 =	simm.s32 @!p0 $0x1C03  }
0x13a: {  	[timem:s3], [sflag:s2] =	dma.local @!p0 [hbm:s0], s1  }
0x13b: {  	s0 =	simm.s32 @!p0 $0x3  }
0x13c: {  	_ =	swait.ge @!p0 [sflag:s0], s1  }
0x13d: {  	s1 =	ssub.s32 @!p0 $0x0, s1;
	[sflag:s0] =	ssyncset.done @!p0 $0x0  }
0x13e: {  	[sflag:s0] =	ssyncadd.s32 @!p0 s1  }
0x13f: {  	[bflag:$0x3] =	sbarrier.arrive $0xFFFF  }
0x140: {  	_ =	shalt  }

</sc_bundles>
